<compile_context>
chip_gen: v7x
topology: tpu7x:2x2x1
jax: 0.10.2.dev20260603
libtpu: 0.0.44.dev20260713+nightly
codegen_flags: <defaults>
</compile_context>

<pallas_src>
import functools

import jax
import jax.numpy as jnp
from jax import lax
from jax.experimental import pallas as pl
from jax.experimental.pallas import tpu as pltpu
from jax.experimental.pallas import tpu_sc as plsc

N_FIELDS = 26
VOCAB = 100000
DIM = 16
NC = 2
NS = 16
NW = NC * NS
TROWS = N_FIELDS * DIM
RPW = TROWS // NW
BCH = 4096
NCH = 4


def _lookup_body(idx_hbm, tab_hbm, out_hbm, trow_v, idx_v, grow_v,
                 sem_t, sem_w0, sem_w1):
    wid = lax.axis_index("s") * NC + lax.axis_index("c")
    sem_w = (sem_w0, sem_w1)

    def row_loop(r, prev_f):
        row = wid * RPW + r
        f = row // DIM
        d = lax.rem(row, DIM)

        pltpu.async_copy(tab_hbm.at[f, d], trow_v, sem_t)

        @pl.when(f != prev_f)
        def _():
            pltpu.sync_copy(idx_hbm.at[f], idx_v)

        pltpu.make_async_copy(tab_hbm.at[f, d], trow_v, sem_t).wait()

        for c in range(NCH):
            s = c % 2
            if c >= 2:
                pltpu.make_async_copy(
                    grow_v.at[s], out_hbm.at[row, pl.ds(0, BCH)], sem_w[s]
                ).wait()
            else:
                @pl.when(r > 0)
                def _():
                    pltpu.make_async_copy(
                        grow_v.at[s], out_hbm.at[row, pl.ds(0, BCH)], sem_w[s]
                    ).wait()

            def g(i, carry3):
                iv = idx_v[pl.ds(c * BCH + i * 16, 16)]
                grow_v[s, pl.ds(i * 16, 16)] = plsc.load_gather(trow_v, [iv])
                return carry3

            lax.fori_loop(0, BCH // 16, g, 0, unroll=16)
            pltpu.async_copy(
                grow_v.at[s], out_hbm.at[row, pl.ds(c * BCH, BCH)], sem_w[s]
            )
        return f

    last_f = lax.fori_loop(0, RPW, row_loop, -1)
    last_row = wid * RPW + RPW - 1
    for s in range(2):
        pltpu.make_async_copy(
            grow_v.at[s], out_hbm.at[last_row, pl.ds(0, BCH)], sem_w[s]
        ).wait()


def kernel(indices, tables):
    batch = indices.shape[0]

    idx_t = indices.T
    tab_t = jnp.transpose(tables, (0, 2, 1))

    mesh = plsc.VectorSubcoreMesh(core_axis_name="c", subcore_axis_name="s")
    lookup = functools.partial(
        pl.kernel,
        out_type=jax.ShapeDtypeStruct((TROWS, batch), jnp.float32),
        mesh=mesh,
        scratch_types=[
            pltpu.VMEM((VOCAB,), jnp.float32),
            pltpu.VMEM((batch,), jnp.int32),
            pltpu.VMEM((2, BCH), jnp.float32),
            pltpu.SemaphoreType.DMA,
            pltpu.SemaphoreType.DMA,
            pltpu.SemaphoreType.DMA,
        ],
        compiler_params=pltpu.CompilerParams(
            use_tc_tiling_on_sc=True, needs_layout_passes=False
        ),
    )(_lookup_body)

    out_t = lookup(idx_t, tab_t)
    return out_t.T

# --- scband reference (transcript-rebuilt; emitter-appended) ---
"""Pipeline reference for scband-tokenizer-26396869001637 (READ-ONLY COPY).

The authoritative reference and input builder live on the scoring server;
editing this copy changes nothing except your own understanding.
"""

import jax, jax.numpy as jnp
import numpy as np

N_FIELDS = 26
VOCAB = 100000
DIM = 16
BATCH = 16384


def setup_inputs(seed: int = 0) -> dict:
    key = jax.random.key(seed)
    k1, k2 = jax.random.split(key)
    # one categorical id per sparse field per example (the Tokenizer expects B x 1 per field;
    # we pack all 26 fields into a single [B, 26] tensor, column f = field f's ids)
    indices = jax.random.randint(k1, (BATCH, N_FIELDS), 0, VOCAB, dtype=jnp.int32)
    # one embedding table per SparseField: nn.Embedding(count=VOCAB, dim=DIM)
    tables = jax.random.normal(k2, (N_FIELDS, VOCAB, DIM), dtype=jnp.float32) * 0.01
    return {"indices": indices, "tables": tables}


def reference(indices, tables):
    # Tokenizer.look_up: per-field embedding lookup, List[B x 1 x d]
    # followed by flatten_cat: List[B x 1 x d] -> B x (26 * d)
    # vmap over the field axis: tables[f][indices[:, f]] for f in range(26)
    embs = jax.vmap(lambda t, idx: jnp.take(t, idx, axis=0), in_axes=(0, 1), out_axes=1)(tables, indices)
    # embs: (B, N_FIELDS, DIM); flatten_cat -> (B, N_FIELDS * DIM)
    return embs.reshape(embs.shape[0], -1)

if __name__ == "__main__":
    import jax
    _d = setup_inputs()
    print(jax.jit(kernel)(*tuple(_d.values())))

</pallas_src>

<mosaic_0001>
#map = affine_map<(d0, d1) -> (0, 0)>
#map1 = affine_map<(d0, d1) -> (0, 0, 0)>
module attributes {stable_mosaic.version = 14 : i64} {
  func.func @_lookup_body(%arg0: i32, %arg1: i32, %arg2: memref<26x16384xi32, #tpu.memory_space<hbm>>, %arg3: memref<26x16x100000xf32, #tpu.memory_space<hbm>>, %arg4: memref<416x16384xf32, #tpu.memory_space<hbm>>, %arg5: memref<100000xf32, #tpu.memory_space<vmem>>, %arg6: memref<16384xi32, #tpu.memory_space<vmem>>, %arg7: memref<2x4096xf32, #tpu.memory_space<vmem>>, %arg8: memref<!tpu.dma_semaphore, #tpu.memory_space<semaphore_mem>>, %arg9: memref<!tpu.dma_semaphore, #tpu.memory_space<semaphore_mem>>, %arg10: memref<!tpu.dma_semaphore, #tpu.memory_space<semaphore_mem>>) attributes {dimension_semantics = [#tpu.dimension_semantics<core_parallel>, #tpu.dimension_semantics<subcore_parallel>], iteration_bounds = array<i64: 2, 16>, scalar_prefetch = 0 : i64, scratch_operands = 6 : i64, tpu.core_type = #tpu.core_type<sc_vector_subcore>, window_params = [{transform_indices = #map}, {transform_indices = #map1}, {transform_indices = #map}]} {
    %mul3A = arith.constant 2 : i32
    %mul3A_0 = arith.muli %arg1, %mul3A : i32
    %add3A = arith.addi %mul3A_0, %arg0 : i32
    %scan3A = arith.constant -1 : i32
    %scan3A_1 = arith.constant 0 : i32
    %scan3A_2 = arith.constant 13 : i32
    %scan3A_3 = arith.addi %scan3A_1, %scan3A_2 : i32
    %scan3A_4 = arith.constant 1 : i32
    %scan3A_5 = scf.for %scan3A_37 = %scan3A_1 to %scan3A_3 step %scan3A_4 iter_args(%scan3A_38 = %scan3A) -> (i32)  : i32 {
      %mul3A_39 = arith.constant 13 : i32
      %mul3A_40 = arith.muli %add3A, %mul3A_39 : i32
      %add3A_41 = arith.addi %mul3A_40, %scan3A_37 : i32
      %jit3A = arith.constant 16 : i32
      %div3A = arith.divsi %add3A_41, %jit3A : i32
      %sign3A = arith.constant 0 : i32
      %sign3A_42 = arith.cmpi sgt, %add3A_41, %sign3A : i32
      %sign3A_43 = arith.extui %sign3A_42 : i1 to i32
      %sign3A_44 = arith.constant 0 : i32
      %sign3A_45 = arith.cmpi slt, %add3A_41, %sign3A_44 : i32
      %sign3A_46 = arith.extui %sign3A_45 : i1 to i32
      %sign3A_47 = arith.subi %sign3A_43, %sign3A_46 : i32
      %sign3A_48 = arith.constant 0 : i32
      %sign3A_49 = arith.cmpi sgt, %jit3A, %sign3A_48 : i32
      %sign3A_50 = arith.extui %sign3A_49 : i1 to i32
      %sign3A_51 = arith.constant 0 : i32
      %sign3A_52 = arith.cmpi slt, %jit3A, %sign3A_51 : i32
      %sign3A_53 = arith.extui %sign3A_52 : i1 to i32
      %sign3A_54 = arith.subi %sign3A_50, %sign3A_53 : i32
      %ne3A = arith.cmpi ne, %sign3A_47, %sign3A_54 : i32
      %rem3A = arith.remsi %add3A_41, %jit3A : i32
      %ne3A_55 = arith.constant 0 : i32
      %ne3A_56 = arith.cmpi ne, %rem3A, %ne3A_55 : i32
      %and3A = arith.andi %ne3A, %ne3A_56 : i1
      %sub3A_57 = arith.constant 1 : i32
      %sub3A_58 = arith.subi %div3A, %sub3A_57 : i32
      %select_n3A = arith.select %and3A, %sub3A_58, %div3A : i32
      %rem3A_59 = arith.constant 16 : i32
      %rem3A_60 = arith.remsi %add3A_41, %rem3A_59 : i32
      %dma_start3A = arith.constant 0 : i32
      %dma_start3A_61 = tpu.memref_slice %arg3[%select_n3A, %rem3A_60, %dma_start3A] : memref<26x16x100000xf32, #tpu.memory_space<hbm>> -> memref<1x1x100000xf32, #tpu.memory_space<hbm>>
      %dma_start3A_62 = tpu.memref_squeeze %dma_start3A_61 : memref<1x1x100000xf32, #tpu.memory_space<hbm>> -> memref<100000xf32, #tpu.memory_space<hbm>>
      %dma_start3A_63 = arith.constant 0 : i32
      %dma_start3A_64 = tpu.memref_slice %arg3[%select_n3A, %rem3A_60, %dma_start3A_63] : memref<26x16x100000xf32, #tpu.memory_space<hbm>> -> memref<1x1x100000xf32, #tpu.memory_space<hbm>>
      %dma_start3A_65 = tpu.memref_squeeze %dma_start3A_64 : memref<1x1x100000xf32, #tpu.memory_space<hbm>> -> memref<100000xf32, #tpu.memory_space<hbm>>
      tpu.enqueue_dma source(%dma_start3A_65 : memref<100000xf32, #tpu.memory_space<hbm>>) target(%arg5 : memref<100000xf32, #tpu.memory_space<vmem>>) target_semaphore(%arg8 : memref<!tpu.dma_semaphore, #tpu.memory_space<semaphore_mem>>)
      %ne3A_66 = arith.cmpi ne, %select_n3A, %scan3A_38 : i32
      %convert_element_type3A = arith.extui %ne3A_66 : i1 to i32
      %cond3A = arith.constant 0 : i32
      %cond3A_67 = arith.cmpi ne, %convert_element_type3A, %cond3A : i32
      scf.if %cond3A_67 {
        "tpu.region"() ({
          %run_scoped3A = tpu.sem_alloc : memref<!tpu.dma_semaphore, #tpu.memory_space<semaphore_mem>>
          %dma_start3A_185 = arith.constant 0 : i32
          %dma_start3A_186 = tpu.memref_slice %arg2[%select_n3A, %dma_start3A_185] : memref<26x16384xi32, #tpu.memory_space<hbm>> -> memref<1x16384xi32, #tpu.memory_space<hbm>>
          %dma_start3A_187 = tpu.memref_squeeze %dma_start3A_186 : memref<1x16384xi32, #tpu.memory_space<hbm>> -> memref<16384xi32, #tpu.memory_space<hbm>>
          %dma_start3A_188 = arith.constant 0 : i32
          %dma_start3A_189 = tpu.memref_slice %arg2[%select_n3A, %dma_start3A_188] : memref<26x16384xi32, #tpu.memory_space<hbm>> -> memref<1x16384xi32, #tpu.memory_space<hbm>>
          %dma_start3A_190 = tpu.memref_squeeze %dma_start3A_189 : memref<1x16384xi32, #tpu.memory_space<hbm>> -> memref<16384xi32, #tpu.memory_space<hbm>>
          tpu.enqueue_dma source(%dma_start3A_190 : memref<16384xi32, #tpu.memory_space<hbm>>) target(%arg6 : memref<16384xi32, #tpu.memory_space<vmem>>) target_semaphore(%run_scoped3A : memref<!tpu.dma_semaphore, #tpu.memory_space<semaphore_mem>>)
          %dma_wait3A_191 = arith.constant 0 : i32
          %dma_wait3A_192 = tpu.memref_slice %arg2[%select_n3A, %dma_wait3A_191] : memref<26x16384xi32, #tpu.memory_space<hbm>> -> memref<1x16384xi32, #tpu.memory_space<hbm>>
          %dma_wait3A_193 = tpu.memref_squeeze %dma_wait3A_192 : memref<1x16384xi32, #tpu.memory_space<hbm>> -> memref<16384xi32, #tpu.memory_space<hbm>>
          %dma_wait3A_194 = arith.constant 0 : i32
          %dma_wait3A_195 = tpu.memref_slice %arg2[%select_n3A, %dma_wait3A_194] : memref<26x16384xi32, #tpu.memory_space<hbm>> -> memref<1x16384xi32, #tpu.memory_space<hbm>>
          %dma_wait3A_196 = tpu.memref_squeeze %dma_wait3A_195 : memref<1x16384xi32, #tpu.memory_space<hbm>> -> memref<16384xi32, #tpu.memory_space<hbm>>
          tpu.wait_dma2 semaphore(%run_scoped3A : memref<!tpu.dma_semaphore, #tpu.memory_space<semaphore_mem>>) src(%dma_wait3A_196 : memref<16384xi32, #tpu.memory_space<hbm>>) dst(%arg6 : memref<16384xi32, #tpu.memory_space<vmem>>)
          tpu.yield
        }) : () -> ()
      } else {
      }
      %dma_wait3A_68 = arith.constant 0 : i32
      %dma_wait3A_69 = tpu.memref_slice %arg3[%select_n3A, %rem3A_60, %dma_wait3A_68] : memref<26x16x100000xf32, #tpu.memory_space<hbm>> -> memref<1x1x100000xf32, #tpu.memory_space<hbm>>
      %dma_wait3A_70 = tpu.memref_squeeze %dma_wait3A_69 : memref<1x1x100000xf32, #tpu.memory_space<hbm>> -> memref<100000xf32, #tpu.memory_space<hbm>>
      %dma_wait3A_71 = arith.constant 0 : i32
      %dma_wait3A_72 = tpu.memref_slice %arg3[%select_n3A, %rem3A_60, %dma_wait3A_71] : memref<26x16x100000xf32, #tpu.memory_space<hbm>> -> memref<1x1x100000xf32, #tpu.memory_space<hbm>>
      %dma_wait3A_73 = tpu.memref_squeeze %dma_wait3A_72 : memref<1x1x100000xf32, #tpu.memory_space<hbm>> -> memref<100000xf32, #tpu.memory_space<hbm>>
      tpu.wait_dma2 semaphore(%arg8 : memref<!tpu.dma_semaphore, #tpu.memory_space<semaphore_mem>>) src(%dma_wait3A_73 : memref<100000xf32, #tpu.memory_space<hbm>>) dst(%arg5 : memref<100000xf32, #tpu.memory_space<vmem>>)
      %gt3A = arith.constant 0 : i32
      %gt3A_74 = arith.cmpi sgt, %scan3A_37, %gt3A : i32
      %convert_element_type3A_75 = arith.extui %gt3A_74 : i1 to i32
      %cond3A_76 = arith.constant 0 : i32
      %cond3A_77 = arith.cmpi ne, %convert_element_type3A_75, %cond3A_76 : i32
      scf.if %cond3A_77 {
        %dma_wait3A_185 = arith.constant 0 : i32
        %dma_wait3A_186 = arith.constant 0 : i32
        %dma_wait3A_187 = tpu.memref_slice %arg7[%dma_wait3A_185, %dma_wait3A_186] : memref<2x4096xf32, #tpu.memory_space<vmem>> -> memref<1x4096xf32, #tpu.memory_space<vmem>>
        %dma_wait3A_188 = tpu.memref_squeeze %dma_wait3A_187 : memref<1x4096xf32, #tpu.memory_space<vmem>> -> memref<4096xf32, #tpu.memory_space<vmem>>
        %dma_wait3A_189 = arith.constant 0 : i32
        %dma_wait3A_190 = tpu.memref_slice %arg4[%add3A_41, %dma_wait3A_189] : memref<416x16384xf32, #tpu.memory_space<hbm>> -> memref<1x4096xf32, #tpu.memory_space<hbm>>
        %dma_wait3A_191 = tpu.memref_squeeze %dma_wait3A_190 : memref<1x4096xf32, #tpu.memory_space<hbm>> -> memref<4096xf32, #tpu.memory_space<hbm>>
        %dma_wait3A_192 = arith.constant 0 : i32
        %dma_wait3A_193 = tpu.memref_slice %arg4[%add3A_41, %dma_wait3A_192] : memref<416x16384xf32, #tpu.memory_space<hbm>> -> memref<1x4096xf32, #tpu.memory_space<hbm>>
        %dma_wait3A_194 = tpu.memref_squeeze %dma_wait3A_193 : memref<1x4096xf32, #tpu.memory_space<hbm>> -> memref<4096xf32, #tpu.memory_space<hbm>>
        %dma_wait3A_195 = arith.constant 0 : i32
        %dma_wait3A_196 = tpu.memref_slice %arg7[%dma_wait3A_185, %dma_wait3A_195] : memref<2x4096xf32, #tpu.memory_space<vmem>> -> memref<1x4096xf32, #tpu.memory_space<vmem>>
        %dma_wait3A_197 = tpu.memref_squeeze %dma_wait3A_196 : memref<1x4096xf32, #tpu.memory_space<vmem>> -> memref<4096xf32, #tpu.memory_space<vmem>>
        tpu.wait_dma2 semaphore(%arg9 : memref<!tpu.dma_semaphore, #tpu.memory_space<semaphore_mem>>) src(%dma_wait3A_197 : memref<4096xf32, #tpu.memory_space<vmem>>) dst(%dma_wait3A_194 : memref<4096xf32, #tpu.memory_space<hbm>>)
      } else {
      }
      %scan3A_78 = arith.constant 0 : i32
      %scan3A_79 = arith.constant 0 : i32
      %scan3A_80 = arith.constant 256 : i32
      %scan3A_81 = arith.addi %scan3A_79, %scan3A_80 : i32
      %scan3A_82 = arith.constant 16 : i32
      scf.for %scan3A_185 = %scan3A_79 to %scan3A_81 step %scan3A_82  : i32 {
        %mul3A_186 = arith.constant 16 : i32
        %mul3A_187 = arith.muli %scan3A_185, %mul3A_186 : i32
        %add3A_188 = arith.constant 0 : i32
        %add3A_189 = arith.addi %add3A_188, %mul3A_187 : i32
        %get3A = arith.index_cast %add3A_189 : i32 to index
        %get3A_190 = tpu.vector_load %arg6[%get3A] {strides = array<i32>} : memref<16384xi32, #tpu.memory_space<vmem>>, vector<16xi32>,
        %gather3A = tpu.vector_load_idx %arg5[%get3A_190] : memref<100000xf32, #tpu.memory_space<vmem>>[vector<16xi32>], vector<16xf32>,
        %mul3A_191 = arith.constant 16 : i32
        %mul3A_192 = arith.muli %scan3A_185, %mul3A_191 : i32
        %swap3A = arith.constant 0 : i32
        %swap3A_193 = arith.index_cast %swap3A : i32 to index
        %swap3A_194 = arith.index_cast %mul3A_192 : i32 to index
        %swap3A_195 = tpu.vector_load %arg7[%swap3A_193, %swap3A_194] {strides = array<i32>} : memref<2x4096xf32, #tpu.memory_space<vmem>>, vector<16xf32>,
        tpu.vector_store %arg7[%swap3A_193, %swap3A_194], %gather3A {strides = array<i32>} : memref<2x4096xf32, #tpu.memory_space<vmem>>, vector<16xf32>,
        %scan3A_196 = arith.constant 1 : i32
        %scan3A_197 = arith.addi %scan3A_185, %scan3A_196 : i32
        %mul3A_198 = arith.constant 16 : i32
        %mul3A_199 = arith.muli %scan3A_197, %mul3A_198 : i32
        %add3A_200 = arith.constant 0 : i32
        %add3A_201 = arith.addi %add3A_200, %mul3A_199 : i32
        %get3A_202 = arith.index_cast %add3A_201 : i32 to index
        %get3A_203 = tpu.vector_load %arg6[%get3A_202] {strides = array<i32>} : memref<16384xi32, #tpu.memory_space<vmem>>, vector<16xi32>,
        %gather3A_204 = tpu.vector_load_idx %arg5[%get3A_203] : memref<100000xf32, #tpu.memory_space<vmem>>[vector<16xi32>], vector<16xf32>,
        %mul3A_205 = arith.constant 16 : i32
        %mul3A_206 = arith.muli %scan3A_197, %mul3A_205 : i32
        %swap3A_207 = arith.constant 0 : i32
        %swap3A_208 = arith.index_cast %swap3A_207 : i32 to index
        %swap3A_209 = arith.index_cast %mul3A_206 : i32 to index
        %swap3A_210 = tpu.vector_load %arg7[%swap3A_208, %swap3A_209] {strides = array<i32>} : memref<2x4096xf32, #tpu.memory_space<vmem>>, vector<16xf32>,
        tpu.vector_store %arg7[%swap3A_208, %swap3A_209], %gather3A_204 {strides = array<i32>} : memref<2x4096xf32, #tpu.memory_space<vmem>>, vector<16xf32>,
        %scan3A_211 = arith.constant 2 : i32
        %scan3A_212 = arith.addi %scan3A_185, %scan3A_211 : i32
        %mul3A_213 = arith.constant 16 : i32
        %mul3A_214 = arith.muli %scan3A_212, %mul3A_213 : i32
        %add3A_215 = arith.constant 0 : i32
        %add3A_216 = arith.addi %add3A_215, %mul3A_214 : i32
        %get3A_217 = arith.index_cast %add3A_216 : i32 to index
        %get3A_218 = tpu.vector_load %arg6[%get3A_217] {strides = array<i32>} : memref<16384xi32, #tpu.memory_space<vmem>>, vector<16xi32>,
        %gather3A_219 = tpu.vector_load_idx %arg5[%get3A_218] : memref<100000xf32, #tpu.memory_space<vmem>>[vector<16xi32>], vector<16xf32>,
        %mul3A_220 = arith.constant 16 : i32
        %mul3A_221 = arith.muli %scan3A_212, %mul3A_220 : i32
        %swap3A_222 = arith.constant 0 : i32
        %swap3A_223 = arith.index_cast %swap3A_222 : i32 to index
        %swap3A_224 = arith.index_cast %mul3A_221 : i32 to index
        %swap3A_225 = tpu.vector_load %arg7[%swap3A_223, %swap3A_224] {strides = array<i32>} : memref<2x4096xf32, #tpu.memory_space<vmem>>, vector<16xf32>,
        tpu.vector_store %arg7[%swap3A_223, %swap3A_224], %gather3A_219 {strides = array<i32>} : memref<2x4096xf32, #tpu.memory_space<vmem>>, vector<16xf32>,
        %scan3A_226 = arith.constant 3 : i32
        %scan3A_227 = arith.addi %scan3A_185, %scan3A_226 : i32
        %mul3A_228 = arith.constant 16 : i32
        %mul3A_229 = arith.muli %scan3A_227, %mul3A_228 : i32
        %add3A_230 = arith.constant 0 : i32
        %add3A_231 = arith.addi %add3A_230, %mul3A_229 : i32
        %get3A_232 = arith.index_cast %add3A_231 : i32 to index
        %get3A_233 = tpu.vector_load %arg6[%get3A_232] {strides = array<i32>} : memref<16384xi32, #tpu.memory_space<vmem>>, vector<16xi32>,
        %gather3A_234 = tpu.vector_load_idx %arg5[%get3A_233] : memref<100000xf32, #tpu.memory_space<vmem>>[vector<16xi32>], vector<16xf32>,
        %mul3A_235 = arith.constant 16 : i32
        %mul3A_236 = arith.muli %scan3A_227, %mul3A_235 : i32
        %swap3A_237 = arith.constant 0 : i32
        %swap3A_238 = arith.index_cast %swap3A_237 : i32 to index
        %swap3A_239 = arith.index_cast %mul3A_236 : i32 to index
        %swap3A_240 = tpu.vector_load %arg7[%swap3A_238, %swap3A_239] {strides = array<i32>} : memref<2x4096xf32, #tpu.memory_space<vmem>>, vector<16xf32>,
        tpu.vector_store %arg7[%swap3A_238, %swap3A_239], %gather3A_234 {strides = array<i32>} : memref<2x4096xf32, #tpu.memory_space<vmem>>, vector<16xf32>,
        %scan3A_241 = arith.constant 4 : i32
        %scan3A_242 = arith.addi %scan3A_185, %scan3A_241 : i32
        %mul3A_243 = arith.constant 16 : i32
        %mul3A_244 = arith.muli %scan3A_242, %mul3A_243 : i32
        %add3A_245 = arith.constant 0 : i32
        %add3A_246 = arith.addi %add3A_245, %mul3A_244 : i32
        %get3A_247 = arith.index_cast %add3A_246 : i32 to index
        %get3A_248 = tpu.vector_load %arg6[%get3A_247] {strides = array<i32>} : memref<16384xi32, #tpu.memory_space<vmem>>, vector<16xi32>,
        %gather3A_249 = tpu.vector_load_idx %arg5[%get3A_248] : memref<100000xf32, #tpu.memory_space<vmem>>[vector<16xi32>], vector<16xf32>,
        %mul3A_250 = arith.constant 16 : i32
        %mul3A_251 = arith.muli %scan3A_242, %mul3A_250 : i32
        %swap3A_252 = arith.constant 0 : i32
        %swap3A_253 = arith.index_cast %swap3A_252 : i32 to index
        %swap3A_254 = arith.index_cast %mul3A_251 : i32 to index
        %swap3A_255 = tpu.vector_load %arg7[%swap3A_253, %swap3A_254] {strides = array<i32>} : memref<2x4096xf32, #tpu.memory_space<vmem>>, vector<16xf32>,
        tpu.vector_store %arg7[%swap3A_253, %swap3A_254], %gather3A_249 {strides = array<i32>} : memref<2x4096xf32, #tpu.memory_space<vmem>>, vector<16xf32>,
        %scan3A_256 = arith.constant 5 : i32
        %scan3A_257 = arith.addi %scan3A_185, %scan3A_256 : i32
        %mul3A_258 = arith.constant 16 : i32
        %mul3A_259 = arith.muli %scan3A_257, %mul3A_258 : i32
        %add3A_260 = arith.constant 0 : i32
        %add3A_261 = arith.addi %add3A_260, %mul3A_259 : i32
        %get3A_262 = arith.index_cast %add3A_261 : i32 to index
        %get3A_263 = tpu.vector_load %arg6[%get3A_262] {strides = array<i32>} : memref<16384xi32, #tpu.memory_space<vmem>>, vector<16xi32>,
        %gather3A_264 = tpu.vector_load_idx %arg5[%get3A_263] : memref<100000xf32, #tpu.memory_space<vmem>>[vector<16xi32>], vector<16xf32>,
        %mul3A_265 = arith.constant 16 : i32
        %mul3A_266 = arith.muli %scan3A_257, %mul3A_265 : i32
        %swap3A_267 = arith.constant 0 : i32
        %swap3A_268 = arith.index_cast %swap3A_267 : i32 to index
        %swap3A_269 = arith.index_cast %mul3A_266 : i32 to index
        %swap3A_270 = tpu.vector_load %arg7[%swap3A_268, %swap3A_269] {strides = array<i32>} : memref<2x4096xf32, #tpu.memory_space<vmem>>, vector<16xf32>,
        tpu.vector_store %arg7[%swap3A_268, %swap3A_269], %gather3A_264 {strides = array<i32>} : memref<2x4096xf32, #tpu.memory_space<vmem>>, vector<16xf32>,
        %scan3A_271 = arith.constant 6 : i32
        %scan3A_272 = arith.addi %scan3A_185, %scan3A_271 : i32
        %mul3A_273 = arith.constant 16 : i32
        %mul3A_274 = arith.muli %scan3A_272, %mul3A_273 : i32
        %add3A_275 = arith.constant 0 : i32
        %add3A_276 = arith.addi %add3A_275, %mul3A_274 : i32
        %get3A_277 = arith.index_cast %add3A_276 : i32 to index
        %get3A_278 = tpu.vector_load %arg6[%get3A_277] {strides = array<i32>} : memref<16384xi32, #tpu.memory_space<vmem>>, vector<16xi32>,
        %gather3A_279 = tpu.vector_load_idx %arg5[%get3A_278] : memref<100000xf32, #tpu.memory_space<vmem>>[vector<16xi32>], vector<16xf32>,
        %mul3A_280 = arith.constant 16 : i32
        %mul3A_281 = arith.muli %scan3A_272, %mul3A_280 : i32
        %swap3A_282 = arith.constant 0 : i32
        %swap3A_283 = arith.index_cast %swap3A_282 : i32 to index
        %swap3A_284 = arith.index_cast %mul3A_281 : i32 to index
        %swap3A_285 = tpu.vector_load %arg7[%swap3A_283, %swap3A_284] {strides = array<i32>} : memref<2x4096xf32, #tpu.memory_space<vmem>>, vector<16xf32>,
        tpu.vector_store %arg7[%swap3A_283, %swap3A_284], %gather3A_279 {strides = array<i32>} : memref<2x4096xf32, #tpu.memory_space<vmem>>, vector<16xf32>,
        %scan3A_286 = arith.constant 7 : i32
        %scan3A_287 = arith.addi %scan3A_185, %scan3A_286 : i32
        %mul3A_288 = arith.constant 16 : i32
        %mul3A_289 = arith.muli %scan3A_287, %mul3A_288 : i32
        %add3A_290 = arith.constant 0 : i32
        %add3A_291 = arith.addi %add3A_290, %mul3A_289 : i32
        %get3A_292 = arith.index_cast %add3A_291 : i32 to index
        %get3A_293 = tpu.vector_load %arg6[%get3A_292] {strides = array<i32>} : memref<16384xi32, #tpu.memory_space<vmem>>, vector<16xi32>,
        %gather3A_294 = tpu.vector_load_idx %arg5[%get3A_293] : memref<100000xf32, #tpu.memory_space<vmem>>[vector<16xi32>], vector<16xf32>,
        %mul3A_295 = arith.constant 16 : i32
        %mul3A_296 = arith.muli %scan3A_287, %mul3A_295 : i32
        %swap3A_297 = arith.constant 0 : i32
        %swap3A_298 = arith.index_cast %swap3A_297 : i32 to index
        %swap3A_299 = arith.index_cast %mul3A_296 : i32 to index
        %swap3A_300 = tpu.vector_load %arg7[%swap3A_298, %swap3A_299] {strides = array<i32>} : memref<2x4096xf32, #tpu.memory_space<vmem>>, vector<16xf32>,
        tpu.vector_store %arg7[%swap3A_298, %swap3A_299], %gather3A_294 {strides = array<i32>} : memref<2x4096xf32, #tpu.memory_space<vmem>>, vector<16xf32>,
        %scan3A_301 = arith.constant 8 : i32
        %scan3A_302 = arith.addi %scan3A_185, %scan3A_301 : i32
        %mul3A_303 = arith.constant 16 : i32
        %mul3A_304 = arith.muli %scan3A_302, %mul3A_303 : i32
        %add3A_305 = arith.constant 0 : i32
        %add3A_306 = arith.addi %add3A_305, %mul3A_304 : i32
        %get3A_307 = arith.index_cast %add3A_306 : i32 to index
        %get3A_308 = tpu.vector_load %arg6[%get3A_307] {strides = array<i32>} : memref<16384xi32, #tpu.memory_space<vmem>>, vector<16xi32>,
        %gather3A_309 = tpu.vector_load_idx %arg5[%get3A_308] : memref<100000xf32, #tpu.memory_space<vmem>>[vector<16xi32>], vector<16xf32>,
        %mul3A_310 = arith.constant 16 : i32
        %mul3A_311 = arith.muli %scan3A_302, %mul3A_310 : i32
        %swap3A_312 = arith.constant 0 : i32
        %swap3A_313 = arith.index_cast %swap3A_312 : i32 to index
        %swap3A_314 = arith.index_cast %mul3A_311 : i32 to index
        %swap3A_315 = tpu.vector_load %arg7[%swap3A_313, %swap3A_314] {strides = array<i32>} : memref<2x4096xf32, #tpu.memory_space<vmem>>, vector<16xf32>,
        tpu.vector_store %arg7[%swap3A_313, %swap3A_314], %gather3A_309 {strides = array<i32>} : memref<2x4096xf32, #tpu.memory_space<vmem>>, vector<16xf32>,
        %scan3A_316 = arith.constant 9 : i32
        %scan3A_317 = arith.addi %scan3A_185, %scan3A_316 : i32
        %mul3A_318 = arith.constant 16 : i32
        %mul3A_319 = arith.muli %scan3A_317, %mul3A_318 : i32
        %add3A_320 = arith.constant 0 : i32
        %add3A_321 = arith.addi %add3A_320, %mul3A_319 : i32
        %get3A_322 = arith.index_cast %add3A_321 : i32 to index
        %get3A_323 = tpu.vector_load %arg6[%get3A_322] {strides = array<i32>} : memref<16384xi32, #tpu.memory_space<vmem>>, vector<16xi32>,
        %gather3A_324 = tpu.vector_load_idx %arg5[%get3A_323] : memref<100000xf32, #tpu.memory_space<vmem>>[vector<16xi32>], vector<16xf32>,
        %mul3A_325 = arith.constant 16 : i32
        %mul3A_326 = arith.muli %scan3A_317, %mul3A_325 : i32
        %swap3A_327 = arith.constant 0 : i32
        %swap3A_328 = arith.index_cast %swap3A_327 : i32 to index
        %swap3A_329 = arith.index_cast %mul3A_326 : i32 to index
        %swap3A_330 = tpu.vector_load %arg7[%swap3A_328, %swap3A_329] {strides = array<i32>} : memref<2x4096xf32, #tpu.memory_space<vmem>>, vector<16xf32>,
        tpu.vector_store %arg7[%swap3A_328, %swap3A_329], %gather3A_324 {strides = array<i32>} : memref<2x4096xf32, #tpu.memory_space<vmem>>, vector<16xf32>,
        %scan3A_331 = arith.constant 10 : i32
        %scan3A_332 = arith.addi %scan3A_185, %scan3A_331 : i32
        %mul3A_333 = arith.constant 16 : i32
        %mul3A_334 = arith.muli %scan3A_332, %mul3A_333 : i32
        %add3A_335 = arith.constant 0 : i32
        %add3A_336 = arith.addi %add3A_335, %mul3A_334 : i32
        %get3A_337 = arith.index_cast %add3A_336 : i32 to index
        %get3A_338 = tpu.vector_load %arg6[%get3A_337] {strides = array<i32>} : memref<16384xi32, #tpu.memory_space<vmem>>, vector<16xi32>,
        %gather3A_339 = tpu.vector_load_idx %arg5[%get3A_338] : memref<100000xf32, #tpu.memory_space<vmem>>[vector<16xi32>], vector<16xf32>,
        %mul3A_340 = arith.constant 16 : i32
        %mul3A_341 = arith.muli %scan3A_332, %mul3A_340 : i32
        %swap3A_342 = arith.constant 0 : i32
        %swap3A_343 = arith.index_cast %swap3A_342 : i32 to index
        %swap3A_344 = arith.index_cast %mul3A_341 : i32 to index
        %swap3A_345 = tpu.vector_load %arg7[%swap3A_343, %swap3A_344] {strides = array<i32>} : memref<2x4096xf32, #tpu.memory_space<vmem>>, vector<16xf32>,
        tpu.vector_store %arg7[%swap3A_343, %swap3A_344], %gather3A_339 {strides = array<i32>} : memref<2x4096xf32, #tpu.memory_space<vmem>>, vector<16xf32>,
        %scan3A_346 = arith.constant 11 : i32
        %scan3A_347 = arith.addi %scan3A_185, %scan3A_346 : i32
        %mul3A_348 = arith.constant 16 : i32
        %mul3A_349 = arith.muli %scan3A_347, %mul3A_348 : i32
        %add3A_350 = arith.constant 0 : i32
        %add3A_351 = arith.addi %add3A_350, %mul3A_349 : i32
        %get3A_352 = arith.index_cast %add3A_351 : i32 to index
        %get3A_353 = tpu.vector_load %arg6[%get3A_352] {strides = array<i32>} : memref<16384xi32, #tpu.memory_space<vmem>>, vector<16xi32>,
        %gather3A_354 = tpu.vector_load_idx %arg5[%get3A_353] : memref<100000xf32, #tpu.memory_space<vmem>>[vector<16xi32>], vector<16xf32>,
        %mul3A_355 = arith.constant 16 : i32
        %mul3A_356 = arith.muli %scan3A_347, %mul3A_355 : i32
        %swap3A_357 = arith.constant 0 : i32
        %swap3A_358 = arith.index_cast %swap3A_357 : i32 to index
        %swap3A_359 = arith.index_cast %mul3A_356 : i32 to index
        %swap3A_360 = tpu.vector_load %arg7[%swap3A_358, %swap3A_359] {strides = array<i32>} : memref<2x4096xf32, #tpu.memory_space<vmem>>, vector<16xf32>,
        tpu.vector_store %arg7[%swap3A_358, %swap3A_359], %gather3A_354 {strides = array<i32>} : memref<2x4096xf32, #tpu.memory_space<vmem>>, vector<16xf32>,
        %scan3A_361 = arith.constant 12 : i32
        %scan3A_362 = arith.addi %scan3A_185, %scan3A_361 : i32
        %mul3A_363 = arith.constant 16 : i32
        %mul3A_364 = arith.muli %scan3A_362, %mul3A_363 : i32
        %add3A_365 = arith.constant 0 : i32
        %add3A_366 = arith.addi %add3A_365, %mul3A_364 : i32
        %get3A_367 = arith.index_cast %add3A_366 : i32 to index
        %get3A_368 = tpu.vector_load %arg6[%get3A_367] {strides = array<i32>} : memref<16384xi32, #tpu.memory_space<vmem>>, vector<16xi32>,
        %gather3A_369 = tpu.vector_load_idx %arg5[%get3A_368] : memref<100000xf32, #tpu.memory_space<vmem>>[vector<16xi32>], vector<16xf32>,
        %mul3A_370 = arith.constant 16 : i32
        %mul3A_371 = arith.muli %scan3A_362, %mul3A_370 : i32
        %swap3A_372 = arith.constant 0 : i32
        %swap3A_373 = arith.index_cast %swap3A_372 : i32 to index
        %swap3A_374 = arith.index_cast %mul3A_371 : i32 to index
        %swap3A_375 = tpu.vector_load %arg7[%swap3A_373, %swap3A_374] {strides = array<i32>} : memref<2x4096xf32, #tpu.memory_space<vmem>>, vector<16xf32>,
        tpu.vector_store %arg7[%swap3A_373, %swap3A_374], %gather3A_369 {strides = array<i32>} : memref<2x4096xf32, #tpu.memory_space<vmem>>, vector<16xf32>,
        %scan3A_376 = arith.constant 13 : i32
        %scan3A_377 = arith.addi %scan3A_185, %scan3A_376 : i32
        %mul3A_378 = arith.constant 16 : i32
        %mul3A_379 = arith.muli %scan3A_377, %mul3A_378 : i32
        %add3A_380 = arith.constant 0 : i32
        %add3A_381 = arith.addi %add3A_380, %mul3A_379 : i32
        %get3A_382 = arith.index_cast %add3A_381 : i32 to index
        %get3A_383 = tpu.vector_load %arg6[%get3A_382] {strides = array<i32>} : memref<16384xi32, #tpu.memory_space<vmem>>, vector<16xi32>,
        %gather3A_384 = tpu.vector_load_idx %arg5[%get3A_383] : memref<100000xf32, #tpu.memory_space<vmem>>[vector<16xi32>], vector<16xf32>,
        %mul3A_385 = arith.constant 16 : i32
        %mul3A_386 = arith.muli %scan3A_377, %mul3A_385 : i32
        %swap3A_387 = arith.constant 0 : i32
        %swap3A_388 = arith.index_cast %swap3A_387 : i32 to index
        %swap3A_389 = arith.index_cast %mul3A_386 : i32 to index
        %swap3A_390 = tpu.vector_load %arg7[%swap3A_388, %swap3A_389] {strides = array<i32>} : memref<2x4096xf32, #tpu.memory_space<vmem>>, vector<16xf32>,
        tpu.vector_store %arg7[%swap3A_388, %swap3A_389], %gather3A_384 {strides = array<i32>} : memref<2x4096xf32, #tpu.memory_space<vmem>>, vector<16xf32>,
        %scan3A_391 = arith.constant 14 : i32
        %scan3A_392 = arith.addi %scan3A_185, %scan3A_391 : i32
        %mul3A_393 = arith.constant 16 : i32
        %mul3A_394 = arith.muli %scan3A_392, %mul3A_393 : i32
        %add3A_395 = arith.constant 0 : i32
        %add3A_396 = arith.addi %add3A_395, %mul3A_394 : i32
        %get3A_397 = arith.index_cast %add3A_396 : i32 to index
        %get3A_398 = tpu.vector_load %arg6[%get3A_397] {strides = array<i32>} : memref<16384xi32, #tpu.memory_space<vmem>>, vector<16xi32>,
        %gather3A_399 = tpu.vector_load_idx %arg5[%get3A_398] : memref<100000xf32, #tpu.memory_space<vmem>>[vector<16xi32>], vector<16xf32>,
        %mul3A_400 = arith.constant 16 : i32
        %mul3A_401 = arith.muli %scan3A_392, %mul3A_400 : i32
        %swap3A_402 = arith.constant 0 : i32
        %swap3A_403 = arith.index_cast %swap3A_402 : i32 to index
        %swap3A_404 = arith.index_cast %mul3A_401 : i32 to index
        %swap3A_405 = tpu.vector_load %arg7[%swap3A_403, %swap3A_404] {strides = array<i32>} : memref<2x4096xf32, #tpu.memory_space<vmem>>, vector<16xf32>,
        tpu.vector_store %arg7[%swap3A_403, %swap3A_404], %gather3A_399 {strides = array<i32>} : memref<2x4096xf32, #tpu.memory_space<vmem>>, vector<16xf32>,
        %scan3A_406 = arith.constant 15 : i32
        %scan3A_407 = arith.addi %scan3A_185, %scan3A_406 : i32
        %mul3A_408 = arith.constant 16 : i32
        %mul3A_409 = arith.muli %scan3A_407, %mul3A_408 : i32
        %add3A_410 = arith.constant 0 : i32
        %add3A_411 = arith.addi %add3A_410, %mul3A_409 : i32
        %get3A_412 = arith.index_cast %add3A_411 : i32 to index
        %get3A_413 = tpu.vector_load %arg6[%get3A_412] {strides = array<i32>} : memref<16384xi32, #tpu.memory_space<vmem>>, vector<16xi32>,
        %gather3A_414 = tpu.vector_load_idx %arg5[%get3A_413] : memref<100000xf32, #tpu.memory_space<vmem>>[vector<16xi32>], vector<16xf32>,
        %mul3A_415 = arith.constant 16 : i32
        %mul3A_416 = arith.muli %scan3A_407, %mul3A_415 : i32
        %swap3A_417 = arith.constant 0 : i32
        %swap3A_418 = arith.index_cast %swap3A_417 : i32 to index
        %swap3A_419 = arith.index_cast %mul3A_416 : i32 to index
        %swap3A_420 = tpu.vector_load %arg7[%swap3A_418, %swap3A_419] {strides = array<i32>} : memref<2x4096xf32, #tpu.memory_space<vmem>>, vector<16xf32>,
        tpu.vector_store %arg7[%swap3A_418, %swap3A_419], %gather3A_414 {strides = array<i32>} : memref<2x4096xf32, #tpu.memory_space<vmem>>, vector<16xf32>,
      }
      %scan3A_83 = arith.constant 256 : i32
      %dma_start3A_84 = arith.constant 0 : i32
      %dma_start3A_85 = arith.constant 0 : i32
      %dma_start3A_86 = tpu.memref_slice %arg7[%dma_start3A_84, %dma_start3A_85] : memref<2x4096xf32, #tpu.memory_space<vmem>> -> memref<1x4096xf32, #tpu.memory_space<vmem>>
      %dma_start3A_87 = tpu.memref_squeeze %dma_start3A_86 : memref<1x4096xf32, #tpu.memory_space<vmem>> -> memref<4096xf32, #tpu.memory_space<vmem>>
      %dma_start3A_88 = arith.constant 0 : i32
      %dma_start3A_89 = tpu.memref_slice %arg4[%add3A_41, %dma_start3A_88] : memref<416x16384xf32, #tpu.memory_space<hbm>> -> memref<1x4096xf32, #tpu.memory_space<hbm>>
      %dma_start3A_90 = tpu.memref_squeeze %dma_start3A_89 : memref<1x4096xf32, #tpu.memory_space<hbm>> -> memref<4096xf32, #tpu.memory_space<hbm>>
      %dma_start3A_91 = arith.constant 0 : i32
      %dma_start3A_92 = tpu.memref_slice %arg4[%add3A_41, %dma_start3A_91] : memref<416x16384xf32, #tpu.memory_space<hbm>> -> memref<1x4096xf32, #tpu.memory_space<hbm>>
      %dma_start3A_93 = tpu.memref_squeeze %dma_start3A_92 : memref<1x4096xf32, #tpu.memory_space<hbm>> -> memref<4096xf32, #tpu.memory_space<hbm>>
      %dma_start3A_94 = arith.constant 0 : i32
      %dma_start3A_95 = tpu.memref_slice %arg7[%dma_start3A_84, %dma_start3A_94] : memref<2x4096xf32, #tpu.memory_space<vmem>> -> memref<1x4096xf32, #tpu.memory_space<vmem>>
      %dma_start3A_96 = tpu.memref_squeeze %dma_start3A_95 : memref<1x4096xf32, #tpu.memory_space<vmem>> -> memref<4096xf32, #tpu.memory_space<vmem>>
      tpu.enqueue_dma source(%dma_start3A_96 : memref<4096xf32, #tpu.memory_space<vmem>>) target(%dma_start3A_93 : memref<4096xf32, #tpu.memory_space<hbm>>) target_semaphore(%arg9 : memref<!tpu.dma_semaphore, #tpu.memory_space<semaphore_mem>>)
      %gt3A_97 = arith.constant 0 : i32
      %gt3A_98 = arith.cmpi sgt, %scan3A_37, %gt3A_97 : i32
      %convert_element_type3A_99 = arith.extui %gt3A_98 : i1 to i32
      %cond3A_100 = arith.constant 0 : i32
      %cond3A_101 = arith.cmpi ne, %convert_element_type3A_99, %cond3A_100 : i32
      scf.if %cond3A_101 {
        %dma_wait3A_185 = arith.constant 1 : i32
        %dma_wait3A_186 = arith.constant 0 : i32
        %dma_wait3A_187 = tpu.memref_slice %arg7[%dma_wait3A_185, %dma_wait3A_186] : memref<2x4096xf32, #tpu.memory_space<vmem>> -> memref<1x4096xf32, #tpu.memory_space<vmem>>
        %dma_wait3A_188 = tpu.memref_squeeze %dma_wait3A_187 : memref<1x4096xf32, #tpu.memory_space<vmem>> -> memref<4096xf32, #tpu.memory_space<vmem>>
        %dma_wait3A_189 = arith.constant 0 : i32
        %dma_wait3A_190 = tpu.memref_slice %arg4[%add3A_41, %dma_wait3A_189] : memref<416x16384xf32, #tpu.memory_space<hbm>> -> memref<1x4096xf32, #tpu.memory_space<hbm>>
        %dma_wait3A_191 = tpu.memref_squeeze %dma_wait3A_190 : memref<1x4096xf32, #tpu.memory_space<hbm>> -> memref<4096xf32, #tpu.memory_space<hbm>>
        %dma_wait3A_192 = arith.constant 0 : i32
        %dma_wait3A_193 = tpu.memref_slice %arg4[%add3A_41, %dma_wait3A_192] : memref<416x16384xf32, #tpu.memory_space<hbm>> -> memref<1x4096xf32, #tpu.memory_space<hbm>>
        %dma_wait3A_194 = tpu.memref_squeeze %dma_wait3A_193 : memref<1x4096xf32, #tpu.memory_space<hbm>> -> memref<4096xf32, #tpu.memory_space<hbm>>
        %dma_wait3A_195 = arith.constant 0 : i32
        %dma_wait3A_196 = tpu.memref_slice %arg7[%dma_wait3A_185, %dma_wait3A_195] : memref<2x4096xf32, #tpu.memory_space<vmem>> -> memref<1x4096xf32, #tpu.memory_space<vmem>>
        %dma_wait3A_197 = tpu.memref_squeeze %dma_wait3A_196 : memref<1x4096xf32, #tpu.memory_space<vmem>> -> memref<4096xf32, #tpu.memory_space<vmem>>
        tpu.wait_dma2 semaphore(%arg10 : memref<!tpu.dma_semaphore, #tpu.memory_space<semaphore_mem>>) src(%dma_wait3A_197 : memref<4096xf32, #tpu.memory_space<vmem>>) dst(%dma_wait3A_194 : memref<4096xf32, #tpu.memory_space<hbm>>)
      } else {
      }
      %scan3A_102 = arith.constant 0 : i32
      %scan3A_103 = arith.constant 0 : i32
      %scan3A_104 = arith.constant 256 : i32
      %scan3A_105 = arith.addi %scan3A_103, %scan3A_104 : i32
      %scan3A_106 = arith.constant 16 : i32
      scf.for %scan3A_185 = %scan3A_103 to %scan3A_105 step %scan3A_106  : i32 {
        %mul3A_186 = arith.constant 16 : i32
        %mul3A_187 = arith.muli %scan3A_185, %mul3A_186 : i32
        %add3A_188 = arith.constant 4096 : i32
        %add3A_189 = arith.addi %add3A_188, %mul3A_187 : i32
        %get3A = arith.index_cast %add3A_189 : i32 to index
        %get3A_190 = tpu.vector_load %arg6[%get3A] {strides = array<i32>} : memref<16384xi32, #tpu.memory_space<vmem>>, vector<16xi32>,
        %gather3A = tpu.vector_load_idx %arg5[%get3A_190] : memref<100000xf32, #tpu.memory_space<vmem>>[vector<16xi32>], vector<16xf32>,
        %mul3A_191 = arith.constant 16 : i32
        %mul3A_192 = arith.muli %scan3A_185, %mul3A_191 : i32
        %swap3A = arith.constant 1 : i32
        %swap3A_193 = arith.index_cast %swap3A : i32 to index
        %swap3A_194 = arith.index_cast %mul3A_192 : i32 to index
        %swap3A_195 = tpu.vector_load %arg7[%swap3A_193, %swap3A_194] {strides = array<i32>} : memref<2x4096xf32, #tpu.memory_space<vmem>>, vector<16xf32>,
        tpu.vector_store %arg7[%swap3A_193, %swap3A_194], %gather3A {strides = array<i32>} : memref<2x4096xf32, #tpu.memory_space<vmem>>, vector<16xf32>,
        %scan3A_196 = arith.constant 1 : i32
        %scan3A_197 = arith.addi %scan3A_185, %scan3A_196 : i32
        %mul3A_198 = arith.constant 16 : i32
        %mul3A_199 = arith.muli %scan3A_197, %mul3A_198 : i32
        %add3A_200 = arith.constant 4096 : i32
        %add3A_201 = arith.addi %add3A_200, %mul3A_199 : i32
        %get3A_202 = arith.index_cast %add3A_201 : i32 to index
        %get3A_203 = tpu.vector_load %arg6[%get3A_202] {strides = array<i32>} : memref<16384xi32, #tpu.memory_space<vmem>>, vector<16xi32>,
        %gather3A_204 = tpu.vector_load_idx %arg5[%get3A_203] : memref<100000xf32, #tpu.memory_space<vmem>>[vector<16xi32>], vector<16xf32>,
        %mul3A_205 = arith.constant 16 : i32
        %mul3A_206 = arith.muli %scan3A_197, %mul3A_205 : i32
        %swap3A_207 = arith.constant 1 : i32
        %swap3A_208 = arith.index_cast %swap3A_207 : i32 to index
        %swap3A_209 = arith.index_cast %mul3A_206 : i32 to index
        %swap3A_210 = tpu.vector_load %arg7[%swap3A_208, %swap3A_209] {strides = array<i32>} : memref<2x4096xf32, #tpu.memory_space<vmem>>, vector<16xf32>,
        tpu.vector_store %arg7[%swap3A_208, %swap3A_209], %gather3A_204 {strides = array<i32>} : memref<2x4096xf32, #tpu.memory_space<vmem>>, vector<16xf32>,
        %scan3A_211 = arith.constant 2 : i32
        %scan3A_212 = arith.addi %scan3A_185, %scan3A_211 : i32
        %mul3A_213 = arith.constant 16 : i32
        %mul3A_214 = arith.muli %scan3A_212, %mul3A_213 : i32
        %add3A_215 = arith.constant 4096 : i32
        %add3A_216 = arith.addi %add3A_215, %mul3A_214 : i32
        %get3A_217 = arith.index_cast %add3A_216 : i32 to index
        %get3A_218 = tpu.vector_load %arg6[%get3A_217] {strides = array<i32>} : memref<16384xi32, #tpu.memory_space<vmem>>, vector<16xi32>,
        %gather3A_219 = tpu.vector_load_idx %arg5[%get3A_218] : memref<100000xf32, #tpu.memory_space<vmem>>[vector<16xi32>], vector<16xf32>,
        %mul3A_220 = arith.constant 16 : i32
        %mul3A_221 = arith.muli %scan3A_212, %mul3A_220 : i32
        %swap3A_222 = arith.constant 1 : i32
        %swap3A_223 = arith.index_cast %swap3A_222 : i32 to index
        %swap3A_224 = arith.index_cast %mul3A_221 : i32 to index
        %swap3A_225 = tpu.vector_load %arg7[%swap3A_223, %swap3A_224] {strides = array<i32>} : memref<2x4096xf32, #tpu.memory_space<vmem>>, vector<16xf32>,
        tpu.vector_store %arg7[%swap3A_223, %swap3A_224], %gather3A_219 {strides = array<i32>} : memref<2x4096xf32, #tpu.memory_space<vmem>>, vector<16xf32>,
        %scan3A_226 = arith.constant 3 : i32
        %scan3A_227 = arith.addi %scan3A_185, %scan3A_226 : i32
        %mul3A_228 = arith.constant 16 : i32
        %mul3A_229 = arith.muli %scan3A_227, %mul3A_228 : i32
        %add3A_230 = arith.constant 4096 : i32
        %add3A_231 = arith.addi %add3A_230, %mul3A_229 : i32
        %get3A_232 = arith.index_cast %add3A_231 : i32 to index
        %get3A_233 = tpu.vector_load %arg6[%get3A_232] {strides = array<i32>} : memref<16384xi32, #tpu.memory_space<vmem>>, vector<16xi32>,
        %gather3A_234 = tpu.vector_load_idx %arg5[%get3A_233] : memref<100000xf32, #tpu.memory_space<vmem>>[vector<16xi32>], vector<16xf32>,
        %mul3A_235 = arith.constant 16 : i32
        %mul3A_236 = arith.muli %scan3A_227, %mul3A_235 : i32
        %swap3A_237 = arith.constant 1 : i32
        %swap3A_238 = arith.index_cast %swap3A_237 : i32 to index
        %swap3A_239 = arith.index_cast %mul3A_236 : i32 to index
        %swap3A_240 = tpu.vector_load %arg7[%swap3A_238, %swap3A_239] {strides = array<i32>} : memref<2x4096xf32, #tpu.memory_space<vmem>>, vector<16xf32>,
        tpu.vector_store %arg7[%swap3A_238, %swap3A_239], %gather3A_234 {strides = array<i32>} : memref<2x4096xf32, #tpu.memory_space<vmem>>, vector<16xf32>,
        %scan3A_241 = arith.constant 4 : i32
        %scan3A_242 = arith.addi %scan3A_185, %scan3A_241 : i32
        %mul3A_243 = arith.constant 16 : i32
        %mul3A_244 = arith.muli %scan3A_242, %mul3A_243 : i32
        %add3A_245 = arith.constant 4096 : i32
        %add3A_246 = arith.addi %add3A_245, %mul3A_244 : i32
        %get3A_247 = arith.index_cast %add3A_246 : i32 to index
        %get3A_248 = tpu.vector_load %arg6[%get3A_247] {strides = array<i32>} : memref<16384xi32, #tpu.memory_space<vmem>>, vector<16xi32>,
        %gather3A_249 = tpu.vector_load_idx %arg5[%get3A_248] : memref<100000xf32, #tpu.memory_space<vmem>>[vector<16xi32>], vector<16xf32>,
        %mul3A_250 = arith.constant 16 : i32
        %mul3A_251 = arith.muli %scan3A_242, %mul3A_250 : i32
        %swap3A_252 = arith.constant 1 : i32
        %swap3A_253 = arith.index_cast %swap3A_252 : i32 to index
        %swap3A_254 = arith.index_cast %mul3A_251 : i32 to index
        %swap3A_255 = tpu.vector_load %arg7[%swap3A_253, %swap3A_254] {strides = array<i32>} : memref<2x4096xf32, #tpu.memory_space<vmem>>, vector<16xf32>,
        tpu.vector_store %arg7[%swap3A_253, %swap3A_254], %gather3A_249 {strides = array<i32>} : memref<2x4096xf32, #tpu.memory_space<vmem>>, vector<16xf32>,
        %scan3A_256 = arith.constant 5 : i32
        %scan3A_257 = arith.addi %scan3A_185, %scan3A_256 : i32
        %mul3A_258 = arith.constant 16 : i32
        %mul3A_259 = arith.muli %scan3A_257, %mul3A_258 : i32
        %add3A_260 = arith.constant 4096 : i32
        %add3A_261 = arith.addi %add3A_260, %mul3A_259 : i32
        %get3A_262 = arith.index_cast %add3A_261 : i32 to index
        %get3A_263 = tpu.vector_load %arg6[%get3A_262] {strides = array<i32>} : memref<16384xi32, #tpu.memory_space<vmem>>, vector<16xi32>,
        %gather3A_264 = tpu.vector_load_idx %arg5[%get3A_263] : memref<100000xf32, #tpu.memory_space<vmem>>[vector<16xi32>], vector<16xf32>,
        %mul3A_265 = arith.constant 16 : i32
        %mul3A_266 = arith.muli %scan3A_257, %mul3A_265 : i32
        %swap3A_267 = arith.constant 1 : i32
        %swap3A_268 = arith.index_cast %swap3A_267 : i32 to index
        %swap3A_269 = arith.index_cast %mul3A_266 : i32 to index
        %swap3A_270 = tpu.vector_load %arg7[%swap3A_268, %swap3A_269] {strides = array<i32>} : memref<2x4096xf32, #tpu.memory_space<vmem>>, vector<16xf32>,
        tpu.vector_store %arg7[%swap3A_268, %swap3A_269], %gather3A_264 {strides = array<i32>} : memref<2x4096xf32, #tpu.memory_space<vmem>>, vector<16xf32>,
        %scan3A_271 = arith.constant 6 : i32
        %scan3A_272 = arith.addi %scan3A_185, %scan3A_271 : i32
        %mul3A_273 = arith.constant 16 : i32
        %mul3A_274 = arith.muli %scan3A_272, %mul3A_273 : i32
        %add3A_275 = arith.constant 4096 : i32
        %add3A_276 = arith.addi %add3A_275, %mul3A_274 : i32
        %get3A_277 = arith.index_cast %add3A_276 : i32 to index
        %get3A_278 = tpu.vector_load %arg6[%get3A_277] {strides = array<i32>} : memref<16384xi32, #tpu.memory_space<vmem>>, vector<16xi32>,
        %gather3A_279 = tpu.vector_load_idx %arg5[%get3A_278] : memref<100000xf32, #tpu.memory_space<vmem>>[vector<16xi32>], vector<16xf32>,
        %mul3A_280 = arith.constant 16 : i32
        %mul3A_281 = arith.muli %scan3A_272, %mul3A_280 : i32
        %swap3A_282 = arith.constant 1 : i32
        %swap3A_283 = arith.index_cast %swap3A_282 : i32 to index
        %swap3A_284 = arith.index_cast %mul3A_281 : i32 to index
        %swap3A_285 = tpu.vector_load %arg7[%swap3A_283, %swap3A_284] {strides = array<i32>} : memref<2x4096xf32, #tpu.memory_space<vmem>>, vector<16xf32>,
        tpu.vector_store %arg7[%swap3A_283, %swap3A_284], %gather3A_279 {strides = array<i32>} : memref<2x4096xf32, #tpu.memory_space<vmem>>, vector<16xf32>,
        %scan3A_286 = arith.constant 7 : i32
        %scan3A_287 = arith.addi %scan3A_185, %scan3A_286 : i32
        %mul3A_288 = arith.constant 16 : i32
        %mul3A_289 = arith.muli %scan3A_287, %mul3A_288 : i32
        %add3A_290 = arith.constant 4096 : i32
        %add3A_291 = arith.addi %add3A_290, %mul3A_289 : i32
        %get3A_292 = arith.index_cast %add3A_291 : i32 to index
        %get3A_293 = tpu.vector_load %arg6[%get3A_292] {strides = array<i32>} : memref<16384xi32, #tpu.memory_space<vmem>>, vector<16xi32>,
        %gather3A_294 = tpu.vector_load_idx %arg5[%get3A_293] : memref<100000xf32, #tpu.memory_space<vmem>>[vector<16xi32>], vector<16xf32>,
        %mul3A_295 = arith.constant 16 : i32
        %mul3A_296 = arith.muli %scan3A_287, %mul3A_295 : i32
        %swap3A_297 = arith.constant 1 : i32
        %swap3A_298 = arith.index_cast %swap3A_297 : i32 to index
        %swap3A_299 = arith.index_cast %mul3A_296 : i32 to index
        %swap3A_300 = tpu.vector_load %arg7[%swap3A_298, %swap3A_299] {strides = array<i32>} : memref<2x4096xf32, #tpu.memory_space<vmem>>, vector<16xf32>,
        tpu.vector_store %arg7[%swap3A_298, %swap3A_299], %gather3A_294 {strides = array<i32>} : memref<2x4096xf32, #tpu.memory_space<vmem>>, vector<16xf32>,
        %scan3A_301 = arith.constant 8 : i32
        %scan3A_302 = arith.addi %scan3A_185, %scan3A_301 : i32
        %mul3A_303 = arith.constant 16 : i32
        %mul3A_304 = arith.muli %scan3A_302, %mul3A_303 : i32
        %add3A_305 = arith.constant 4096 : i32
        %add3A_306 = arith.addi %add3A_305, %mul3A_304 : i32
        %get3A_307 = arith.index_cast %add3A_306 : i32 to index
        %get3A_308 = tpu.vector_load %arg6[%get3A_307] {strides = array<i32>} : memref<16384xi32, #tpu.memory_space<vmem>>, vector<16xi32>,
        %gather3A_309 = tpu.vector_load_idx %arg5[%get3A_308] : memref<100000xf32, #tpu.memory_space<vmem>>[vector<16xi32>], vector<16xf32>,
        %mul3A_310 = arith.constant 16 : i32
        %mul3A_311 = arith.muli %scan3A_302, %mul3A_310 : i32
        %swap3A_312 = arith.constant 1 : i32
        %swap3A_313 = arith.index_cast %swap3A_312 : i32 to index
        %swap3A_314 = arith.index_cast %mul3A_311 : i32 to index
        %swap3A_315 = tpu.vector_load %arg7[%swap3A_313, %swap3A_314] {strides = array<i32>} : memref<2x4096xf32, #tpu.memory_space<vmem>>, vector<16xf32>,
        tpu.vector_store %arg7[%swap3A_313, %swap3A_314], %gather3A_309 {strides = array<i32>} : memref<2x4096xf32, #tpu.memory_space<vmem>>, vector<16xf32>,
        %scan3A_316 = arith.constant 9 : i32
        %scan3A_317 = arith.addi %scan3A_185, %scan3A_316 : i32
        %mul3A_318 = arith.constant 16 : i32
        %mul3A_319 = arith.muli %scan3A_317, %mul3A_318 : i32
        %add3A_320 = arith.constant 4096 : i32
        %add3A_321 = arith.addi %add3A_320, %mul3A_319 : i32
        %get3A_322 = arith.index_cast %add3A_321 : i32 to index
        %get3A_323 = tpu.vector_load %arg6[%get3A_322] {strides = array<i32>} : memref<16384xi32, #tpu.memory_space<vmem>>, vector<16xi32>,
        %gather3A_324 = tpu.vector_load_idx %arg5[%get3A_323] : memref<100000xf32, #tpu.memory_space<vmem>>[vector<16xi32>], vector<16xf32>,
        %mul3A_325 = arith.constant 16 : i32
        %mul3A_326 = arith.muli %scan3A_317, %mul3A_325 : i32
        %swap3A_327 = arith.constant 1 : i32
        %swap3A_328 = arith.index_cast %swap3A_327 : i32 to index
        %swap3A_329 = arith.index_cast %mul3A_326 : i32 to index
        %swap3A_330 = tpu.vector_load %arg7[%swap3A_328, %swap3A_329] {strides = array<i32>} : memref<2x4096xf32, #tpu.memory_space<vmem>>, vector<16xf32>,
        tpu.vector_store %arg7[%swap3A_328, %swap3A_329], %gather3A_324 {strides = array<i32>} : memref<2x4096xf32, #tpu.memory_space<vmem>>, vector<16xf32>,
        %scan3A_331 = arith.constant 10 : i32
        %scan3A_332 = arith.addi %scan3A_185, %scan3A_331 : i32
        %mul3A_333 = arith.constant 16 : i32
        %mul3A_334 = arith.muli %scan3A_332, %mul3A_333 : i32
        %add3A_335 = arith.constant 4096 : i32
        %add3A_336 = arith.addi %add3A_335, %mul3A_334 : i32
        %get3A_337 = arith.index_cast %add3A_336 : i32 to index
        %get3A_338 = tpu.vector_load %arg6[%get3A_337] {strides = array<i32>} : memref<16384xi32, #tpu.memory_space<vmem>>, vector<16xi32>,
        %gather3A_339 = tpu.vector_load_idx %arg5[%get3A_338] : memref<100000xf32, #tpu.memory_space<vmem>>[vector<16xi32>], vector<16xf32>,
        %mul3A_340 = arith.constant 16 : i32
        %mul3A_341 = arith.muli %scan3A_332, %mul3A_340 : i32
        %swap3A_342 = arith.constant 1 : i32
        %swap3A_343 = arith.index_cast %swap3A_342 : i32 to index
        %swap3A_344 = arith.index_cast %mul3A_341 : i32 to index
        %swap3A_345 = tpu.vector_load %arg7[%swap3A_343, %swap3A_344] {strides = array<i32>} : memref<2x4096xf32, #tpu.memory_space<vmem>>, vector<16xf32>,
        tpu.vector_store %arg7[%swap3A_343, %swap3A_344], %gather3A_339 {strides = array<i32>} : memref<2x4096xf32, #tpu.memory_space<vmem>>, vector<16xf32>,
        %scan3A_346 = arith.constant 11 : i32
        %scan3A_347 = arith.addi %scan3A_185, %scan3A_346 : i32
        %mul3A_348 = arith.constant 16 : i32
        %mul3A_349 = arith.muli %scan3A_347, %mul3A_348 : i32
        %add3A_350 = arith.constant 4096 : i32
        %add3A_351 = arith.addi %add3A_350, %mul3A_349 : i32
        %get3A_352 = arith.index_cast %add3A_351 : i32 to index
        %get3A_353 = tpu.vector_load %arg6[%get3A_352] {strides = array<i32>} : memref<16384xi32, #tpu.memory_space<vmem>>, vector<16xi32>,
        %gather3A_354 = tpu.vector_load_idx %arg5[%get3A_353] : memref<100000xf32, #tpu.memory_space<vmem>>[vector<16xi32>], vector<16xf32>,
        %mul3A_355 = arith.constant 16 : i32
        %mul3A_356 = arith.muli %scan3A_347, %mul3A_355 : i32
        %swap3A_357 = arith.constant 1 : i32
        %swap3A_358 = arith.index_cast %swap3A_357 : i32 to index
        %swap3A_359 = arith.index_cast %mul3A_356 : i32 to index
        %swap3A_360 = tpu.vector_load %arg7[%swap3A_358, %swap3A_359] {strides = array<i32>} : memref<2x4096xf32, #tpu.memory_space<vmem>>, vector<16xf32>,
        tpu.vector_store %arg7[%swap3A_358, %swap3A_359], %gather3A_354 {strides = array<i32>} : memref<2x4096xf32, #tpu.memory_space<vmem>>, vector<16xf32>,
        %scan3A_361 = arith.constant 12 : i32
        %scan3A_362 = arith.addi %scan3A_185, %scan3A_361 : i32
        %mul3A_363 = arith.constant 16 : i32
        %mul3A_364 = arith.muli %scan3A_362, %mul3A_363 : i32
        %add3A_365 = arith.constant 4096 : i32
        %add3A_366 = arith.addi %add3A_365, %mul3A_364 : i32
        %get3A_367 = arith.index_cast %add3A_366 : i32 to index
        %get3A_368 = tpu.vector_load %arg6[%get3A_367] {strides = array<i32>} : memref<16384xi32, #tpu.memory_space<vmem>>, vector<16xi32>,
        %gather3A_369 = tpu.vector_load_idx %arg5[%get3A_368] : memref<100000xf32, #tpu.memory_space<vmem>>[vector<16xi32>], vector<16xf32>,
        %mul3A_370 = arith.constant 16 : i32
        %mul3A_371 = arith.muli %scan3A_362, %mul3A_370 : i32
        %swap3A_372 = arith.constant 1 : i32
        %swap3A_373 = arith.index_cast %swap3A_372 : i32 to index
        %swap3A_374 = arith.index_cast %mul3A_371 : i32 to index
        %swap3A_375 = tpu.vector_load %arg7[%swap3A_373, %swap3A_374] {strides = array<i32>} : memref<2x4096xf32, #tpu.memory_space<vmem>>, vector<16xf32>,
        tpu.vector_store %arg7[%swap3A_373, %swap3A_374], %gather3A_369 {strides = array<i32>} : memref<2x4096xf32, #tpu.memory_space<vmem>>, vector<16xf32>,
        %scan3A_376 = arith.constant 13 : i32
        %scan3A_377 = arith.addi %scan3A_185, %scan3A_376 : i32
        %mul3A_378 = arith.constant 16 : i32
        %mul3A_379 = arith.muli %scan3A_377, %mul3A_378 : i32
        %add3A_380 = arith.constant 4096 : i32
        %add3A_381 = arith.addi %add3A_380, %mul3A_379 : i32
        %get3A_382 = arith.index_cast %add3A_381 : i32 to index
        %get3A_383 = tpu.vector_load %arg6[%get3A_382] {strides = array<i32>} : memref<16384xi32, #tpu.memory_space<vmem>>, vector<16xi32>,
        %gather3A_384 = tpu.vector_load_idx %arg5[%get3A_383] : memref<100000xf32, #tpu.memory_space<vmem>>[vector<16xi32>], vector<16xf32>,
        %mul3A_385 = arith.constant 16 : i32
        %mul3A_386 = arith.muli %scan3A_377, %mul3A_385 : i32
        %swap3A_387 = arith.constant 1 : i32
        %swap3A_388 = arith.index_cast %swap3A_387 : i32 to index
        %swap3A_389 = arith.index_cast %mul3A_386 : i32 to index
        %swap3A_390 = tpu.vector_load %arg7[%swap3A_388, %swap3A_389] {strides = array<i32>} : memref<2x4096xf32, #tpu.memory_space<vmem>>, vector<16xf32>,
        tpu.vector_store %arg7[%swap3A_388, %swap3A_389], %gather3A_384 {strides = array<i32>} : memref<2x4096xf32, #tpu.memory_space<vmem>>, vector<16xf32>,
        %scan3A_391 = arith.constant 14 : i32
        %scan3A_392 = arith.addi %scan3A_185, %scan3A_391 : i32
        %mul3A_393 = arith.constant 16 : i32
        %mul3A_394 = arith.muli %scan3A_392, %mul3A_393 : i32
        %add3A_395 = arith.constant 4096 : i32
        %add3A_396 = arith.addi %add3A_395, %mul3A_394 : i32
        %get3A_397 = arith.index_cast %add3A_396 : i32 to index
        %get3A_398 = tpu.vector_load %arg6[%get3A_397] {strides = array<i32>} : memref<16384xi32, #tpu.memory_space<vmem>>, vector<16xi32>,
        %gather3A_399 = tpu.vector_load_idx %arg5[%get3A_398] : memref<100000xf32, #tpu.memory_space<vmem>>[vector<16xi32>], vector<16xf32>,
        %mul3A_400 = arith.constant 16 : i32
        %mul3A_401 = arith.muli %scan3A_392, %mul3A_400 : i32
        %swap3A_402 = arith.constant 1 : i32
        %swap3A_403 = arith.index_cast %swap3A_402 : i32 to index
        %swap3A_404 = arith.index_cast %mul3A_401 : i32 to index
        %swap3A_405 = tpu.vector_load %arg7[%swap3A_403, %swap3A_404] {strides = array<i32>} : memref<2x4096xf32, #tpu.memory_space<vmem>>, vector<16xf32>,
        tpu.vector_store %arg7[%swap3A_403, %swap3A_404], %gather3A_399 {strides = array<i32>} : memref<2x4096xf32, #tpu.memory_space<vmem>>, vector<16xf32>,
        %scan3A_406 = arith.constant 15 : i32
        %scan3A_407 = arith.addi %scan3A_185, %scan3A_406 : i32
        %mul3A_408 = arith.constant 16 : i32
        %mul3A_409 = arith.muli %scan3A_407, %mul3A_408 : i32
        %add3A_410 = arith.constant 4096 : i32
        %add3A_411 = arith.addi %add3A_410, %mul3A_409 : i32
        %get3A_412 = arith.index_cast %add3A_411 : i32 to index
        %get3A_413 = tpu.vector_load %arg6[%get3A_412] {strides = array<i32>} : memref<16384xi32, #tpu.memory_space<vmem>>, vector<16xi32>,
        %gather3A_414 = tpu.vector_load_idx %arg5[%get3A_413] : memref<100000xf32, #tpu.memory_space<vmem>>[vector<16xi32>], vector<16xf32>,
        %mul3A_415 = arith.constant 16 : i32
        %mul3A_416 = arith.muli %scan3A_407, %mul3A_415 : i32
        %swap3A_417 = arith.constant 1 : i32
        %swap3A_418 = arith.index_cast %swap3A_417 : i32 to index
        %swap3A_419 = arith.index_cast %mul3A_416 : i32 to index
        %swap3A_420 = tpu.vector_load %arg7[%swap3A_418, %swap3A_419] {strides = array<i32>} : memref<2x4096xf32, #tpu.memory_space<vmem>>, vector<16xf32>,
        tpu.vector_store %arg7[%swap3A_418, %swap3A_419], %gather3A_414 {strides = array<i32>} : memref<2x4096xf32, #tpu.memory_space<vmem>>, vector<16xf32>,
      }
      %scan3A_107 = arith.constant 256 : i32
      %dma_start3A_108 = arith.constant 1 : i32
      %dma_start3A_109 = arith.constant 0 : i32
      %dma_start3A_110 = tpu.memref_slice %arg7[%dma_start3A_108, %dma_start3A_109] : memref<2x4096xf32, #tpu.memory_space<vmem>> -> memref<1x4096xf32, #tpu.memory_space<vmem>>
      %dma_start3A_111 = tpu.memref_squeeze %dma_start3A_110 : memref<1x4096xf32, #tpu.memory_space<vmem>> -> memref<4096xf32, #tpu.memory_space<vmem>>
      %dma_start3A_112 = arith.constant 4096 : i32
      %dma_start3A_113 = tpu.memref_slice %arg4[%add3A_41, %dma_start3A_112] : memref<416x16384xf32, #tpu.memory_space<hbm>> -> memref<1x4096xf32, #tpu.memory_space<hbm>>
      %dma_start3A_114 = tpu.memref_squeeze %dma_start3A_113 : memref<1x4096xf32, #tpu.memory_space<hbm>> -> memref<4096xf32, #tpu.memory_space<hbm>>
      %dma_start3A_115 = arith.constant 4096 : i32
      %dma_start3A_116 = tpu.memref_slice %arg4[%add3A_41, %dma_start3A_115] : memref<416x16384xf32, #tpu.memory_space<hbm>> -> memref<1x4096xf32, #tpu.memory_space<hbm>>
      %dma_start3A_117 = tpu.memref_squeeze %dma_start3A_116 : memref<1x4096xf32, #tpu.memory_space<hbm>> -> memref<4096xf32, #tpu.memory_space<hbm>>
      %dma_start3A_118 = arith.constant 0 : i32
      %dma_start3A_119 = tpu.memref_slice %arg7[%dma_start3A_108, %dma_start3A_118] : memref<2x4096xf32, #tpu.memory_space<vmem>> -> memref<1x4096xf32, #tpu.memory_space<vmem>>
      %dma_start3A_120 = tpu.memref_squeeze %dma_start3A_119 : memref<1x4096xf32, #tpu.memory_space<vmem>> -> memref<4096xf32, #tpu.memory_space<vmem>>
      tpu.enqueue_dma source(%dma_start3A_120 : memref<4096xf32, #tpu.memory_space<vmem>>) target(%dma_start3A_117 : memref<4096xf32, #tpu.memory_space<hbm>>) target_semaphore(%arg10 : memref<!tpu.dma_semaphore, #tpu.memory_space<semaphore_mem>>)
      %dma_wait3A_121 = arith.constant 0 : i32
      %dma_wait3A_122 = arith.constant 0 : i32
      %dma_wait3A_123 = tpu.memref_slice %arg7[%dma_wait3A_121, %dma_wait3A_122] : memref<2x4096xf32, #tpu.memory_space<vmem>> -> memref<1x4096xf32, #tpu.memory_space<vmem>>
      %dma_wait3A_124 = tpu.memref_squeeze %dma_wait3A_123 : memref<1x4096xf32, #tpu.memory_space<vmem>> -> memref<4096xf32, #tpu.memory_space<vmem>>
      %dma_wait3A_125 = arith.constant 0 : i32
      %dma_wait3A_126 = tpu.memref_slice %arg4[%add3A_41, %dma_wait3A_125] : memref<416x16384xf32, #tpu.memory_space<hbm>> -> memref<1x4096xf32, #tpu.memory_space<hbm>>
      %dma_wait3A_127 = tpu.memref_squeeze %dma_wait3A_126 : memref<1x4096xf32, #tpu.memory_space<hbm>> -> memref<4096xf32, #tpu.memory_space<hbm>>
      %dma_wait3A_128 = arith.constant 0 : i32
      %dma_wait3A_129 = tpu.memref_slice %arg4[%add3A_41, %dma_wait3A_128] : memref<416x16384xf32, #tpu.memory_space<hbm>> -> memref<1x4096xf32, #tpu.memory_space<hbm>>
      %dma_wait3A_130 = tpu.memref_squeeze %dma_wait3A_129 : memref<1x4096xf32, #tpu.memory_space<hbm>> -> memref<4096xf32, #tpu.memory_space<hbm>>
      %dma_wait3A_131 = arith.constant 0 : i32
      %dma_wait3A_132 = tpu.memref_slice %arg7[%dma_wait3A_121, %dma_wait3A_131] : memref<2x4096xf32, #tpu.memory_space<vmem>> -> memref<1x4096xf32, #tpu.memory_space<vmem>>
      %dma_wait3A_133 = tpu.memref_squeeze %dma_wait3A_132 : memref<1x4096xf32, #tpu.memory_space<vmem>> -> memref<4096xf32, #tpu.memory_space<vmem>>
      tpu.wait_dma2 semaphore(%arg9 : memref<!tpu.dma_semaphore, #tpu.memory_space<semaphore_mem>>) src(%dma_wait3A_133 : memref<4096xf32, #tpu.memory_space<vmem>>) dst(%dma_wait3A_130 : memref<4096xf32, #tpu.memory_space<hbm>>)
      %scan3A_134 = arith.constant 0 : i32
      %scan3A_135 = arith.constant 0 : i32
      %scan3A_136 = arith.constant 256 : i32
      %scan3A_137 = arith.addi %scan3A_135, %scan3A_136 : i32
      %scan3A_138 = arith.constant 16 : i32
      scf.for %scan3A_185 = %scan3A_135 to %scan3A_137 step %scan3A_138  : i32 {
        %mul3A_186 = arith.constant 16 : i32
        %mul3A_187 = arith.muli %scan3A_185, %mul3A_186 : i32
        %add3A_188 = arith.constant 8192 : i32
        %add3A_189 = arith.addi %add3A_188, %mul3A_187 : i32
        %get3A = arith.index_cast %add3A_189 : i32 to index
        %get3A_190 = tpu.vector_load %arg6[%get3A] {strides = array<i32>} : memref<16384xi32, #tpu.memory_space<vmem>>, vector<16xi32>,
        %gather3A = tpu.vector_load_idx %arg5[%get3A_190] : memref<100000xf32, #tpu.memory_space<vmem>>[vector<16xi32>], vector<16xf32>,
        %mul3A_191 = arith.constant 16 : i32
        %mul3A_192 = arith.muli %scan3A_185, %mul3A_191 : i32
        %swap3A = arith.constant 0 : i32
        %swap3A_193 = arith.index_cast %swap3A : i32 to index
        %swap3A_194 = arith.index_cast %mul3A_192 : i32 to index
        %swap3A_195 = tpu.vector_load %arg7[%swap3A_193, %swap3A_194] {strides = array<i32>} : memref<2x4096xf32, #tpu.memory_space<vmem>>, vector<16xf32>,
        tpu.vector_store %arg7[%swap3A_193, %swap3A_194], %gather3A {strides = array<i32>} : memref<2x4096xf32, #tpu.memory_space<vmem>>, vector<16xf32>,
        %scan3A_196 = arith.constant 1 : i32
        %scan3A_197 = arith.addi %scan3A_185, %scan3A_196 : i32
        %mul3A_198 = arith.constant 16 : i32
        %mul3A_199 = arith.muli %scan3A_197, %mul3A_198 : i32
        %add3A_200 = arith.constant 8192 : i32
        %add3A_201 = arith.addi %add3A_200, %mul3A_199 : i32
        %get3A_202 = arith.index_cast %add3A_201 : i32 to index
        %get3A_203 = tpu.vector_load %arg6[%get3A_202] {strides = array<i32>} : memref<16384xi32, #tpu.memory_space<vmem>>, vector<16xi32>,
        %gather3A_204 = tpu.vector_load_idx %arg5[%get3A_203] : memref<100000xf32, #tpu.memory_space<vmem>>[vector<16xi32>], vector<16xf32>,
        %mul3A_205 = arith.constant 16 : i32
        %mul3A_206 = arith.muli %scan3A_197, %mul3A_205 : i32
        %swap3A_207 = arith.constant 0 : i32
        %swap3A_208 = arith.index_cast %swap3A_207 : i32 to index
        %swap3A_209 = arith.index_cast %mul3A_206 : i32 to index
        %swap3A_210 = tpu.vector_load %arg7[%swap3A_208, %swap3A_209] {strides = array<i32>} : memref<2x4096xf32, #tpu.memory_space<vmem>>, vector<16xf32>,
        tpu.vector_store %arg7[%swap3A_208, %swap3A_209], %gather3A_204 {strides = array<i32>} : memref<2x4096xf32, #tpu.memory_space<vmem>>, vector<16xf32>,
        %scan3A_211 = arith.constant 2 : i32
        %scan3A_212 = arith.addi %scan3A_185, %scan3A_211 : i32
        %mul3A_213 = arith.constant 16 : i32
        %mul3A_214 = arith.muli %scan3A_212, %mul3A_213 : i32
        %add3A_215 = arith.constant 8192 : i32
        %add3A_216 = arith.addi %add3A_215, %mul3A_214 : i32
        %get3A_217 = arith.index_cast %add3A_216 : i32 to index
        %get3A_218 = tpu.vector_load %arg6[%get3A_217] {strides = array<i32>} : memref<16384xi32, #tpu.memory_space<vmem>>, vector<16xi32>,
        %gather3A_219 = tpu.vector_load_idx %arg5[%get3A_218] : memref<100000xf32, #tpu.memory_space<vmem>>[vector<16xi32>], vector<16xf32>,
        %mul3A_220 = arith.constant 16 : i32
        %mul3A_221 = arith.muli %scan3A_212, %mul3A_220 : i32
        %swap3A_222 = arith.constant 0 : i32
        %swap3A_223 = arith.index_cast %swap3A_222 : i32 to index
        %swap3A_224 = arith.index_cast %mul3A_221 : i32 to index
        %swap3A_225 = tpu.vector_load %arg7[%swap3A_223, %swap3A_224] {strides = array<i32>} : memref<2x4096xf32, #tpu.memory_space<vmem>>, vector<16xf32>,
        tpu.vector_store %arg7[%swap3A_223, %swap3A_224], %gather3A_219 {strides = array<i32>} : memref<2x4096xf32, #tpu.memory_space<vmem>>, vector<16xf32>,
        %scan3A_226 = arith.constant 3 : i32
        %scan3A_227 = arith.addi %scan3A_185, %scan3A_226 : i32
        %mul3A_228 = arith.constant 16 : i32
        %mul3A_229 = arith.muli %scan3A_227, %mul3A_228 : i32
        %add3A_230 = arith.constant 8192 : i32
        %add3A_231 = arith.addi %add3A_230, %mul3A_229 : i32
        %get3A_232 = arith.index_cast %add3A_231 : i32 to index
        %get3A_233 = tpu.vector_load %arg6[%get3A_232] {strides = array<i32>} : memref<16384xi32, #tpu.memory_space<vmem>>, vector<16xi32>,
        %gather3A_234 = tpu.vector_load_idx %arg5[%get3A_233] : memref<100000xf32, #tpu.memory_space<vmem>>[vector<16xi32>], vector<16xf32>,
        %mul3A_235 = arith.constant 16 : i32
        %mul3A_236 = arith.muli %scan3A_227, %mul3A_235 : i32
        %swap3A_237 = arith.constant 0 : i32
        %swap3A_238 = arith.index_cast %swap3A_237 : i32 to index
        %swap3A_239 = arith.index_cast %mul3A_236 : i32 to index
        %swap3A_240 = tpu.vector_load %arg7[%swap3A_238, %swap3A_239] {strides = array<i32>} : memref<2x4096xf32, #tpu.memory_space<vmem>>, vector<16xf32>,
        tpu.vector_store %arg7[%swap3A_238, %swap3A_239], %gather3A_234 {strides = array<i32>} : memref<2x4096xf32, #tpu.memory_space<vmem>>, vector<16xf32>,
        %scan3A_241 = arith.constant 4 : i32
        %scan3A_242 = arith.addi %scan3A_185, %scan3A_241 : i32
        %mul3A_243 = arith.constant 16 : i32
        %mul3A_244 = arith.muli %scan3A_242, %mul3A_243 : i32
        %add3A_245 = arith.constant 8192 : i32
        %add3A_246 = arith.addi %add3A_245, %mul3A_244 : i32
        %get3A_247 = arith.index_cast %add3A_246 : i32 to index
        %get3A_248 = tpu.vector_load %arg6[%get3A_247] {strides = array<i32>} : memref<16384xi32, #tpu.memory_space<vmem>>, vector<16xi32>,
        %gather3A_249 = tpu.vector_load_idx %arg5[%get3A_248] : memref<100000xf32, #tpu.memory_space<vmem>>[vector<16xi32>], vector<16xf32>,
        %mul3A_250 = arith.constant 16 : i32
        %mul3A_251 = arith.muli %scan3A_242, %mul3A_250 : i32
        %swap3A_252 = arith.constant 0 : i32
        %swap3A_253 = arith.index_cast %swap3A_252 : i32 to index
        %swap3A_254 = arith.index_cast %mul3A_251 : i32 to index
        %swap3A_255 = tpu.vector_load %arg7[%swap3A_253, %swap3A_254] {strides = array<i32>} : memref<2x4096xf32, #tpu.memory_space<vmem>>, vector<16xf32>,
        tpu.vector_store %arg7[%swap3A_253, %swap3A_254], %gather3A_249 {strides = array<i32>} : memref<2x4096xf32, #tpu.memory_space<vmem>>, vector<16xf32>,
        %scan3A_256 = arith.constant 5 : i32
        %scan3A_257 = arith.addi %scan3A_185, %scan3A_256 : i32
        %mul3A_258 = arith.constant 16 : i32
        %mul3A_259 = arith.muli %scan3A_257, %mul3A_258 : i32
        %add3A_260 = arith.constant 8192 : i32
        %add3A_261 = arith.addi %add3A_260, %mul3A_259 : i32
        %get3A_262 = arith.index_cast %add3A_261 : i32 to index
        %get3A_263 = tpu.vector_load %arg6[%get3A_262] {strides = array<i32>} : memref<16384xi32, #tpu.memory_space<vmem>>, vector<16xi32>,
        %gather3A_264 = tpu.vector_load_idx %arg5[%get3A_263] : memref<100000xf32, #tpu.memory_space<vmem>>[vector<16xi32>], vector<16xf32>,
        %mul3A_265 = arith.constant 16 : i32
        %mul3A_266 = arith.muli %scan3A_257, %mul3A_265 : i32
        %swap3A_267 = arith.constant 0 : i32
        %swap3A_268 = arith.index_cast %swap3A_267 : i32 to index
        %swap3A_269 = arith.index_cast %mul3A_266 : i32 to index
        %swap3A_270 = tpu.vector_load %arg7[%swap3A_268, %swap3A_269] {strides = array<i32>} : memref<2x4096xf32, #tpu.memory_space<vmem>>, vector<16xf32>,
        tpu.vector_store %arg7[%swap3A_268, %swap3A_269], %gather3A_264 {strides = array<i32>} : memref<2x4096xf32, #tpu.memory_space<vmem>>, vector<16xf32>,
        %scan3A_271 = arith.constant 6 : i32
        %scan3A_272 = arith.addi %scan3A_185, %scan3A_271 : i32
        %mul3A_273 = arith.constant 16 : i32
        %mul3A_274 = arith.muli %scan3A_272, %mul3A_273 : i32
        %add3A_275 = arith.constant 8192 : i32
        %add3A_276 = arith.addi %add3A_275, %mul3A_274 : i32
        %get3A_277 = arith.index_cast %add3A_276 : i32 to index
        %get3A_278 = tpu.vector_load %arg6[%get3A_277] {strides = array<i32>} : memref<16384xi32, #tpu.memory_space<vmem>>, vector<16xi32>,
        %gather3A_279 = tpu.vector_load_idx %arg5[%get3A_278] : memref<100000xf32, #tpu.memory_space<vmem>>[vector<16xi32>], vector<16xf32>,
        %mul3A_280 = arith.constant 16 : i32
        %mul3A_281 = arith.muli %scan3A_272, %mul3A_280 : i32
        %swap3A_282 = arith.constant 0 : i32
        %swap3A_283 = arith.index_cast %swap3A_282 : i32 to index
        %swap3A_284 = arith.index_cast %mul3A_281 : i32 to index
        %swap3A_285 = tpu.vector_load %arg7[%swap3A_283, %swap3A_284] {strides = array<i32>} : memref<2x4096xf32, #tpu.memory_space<vmem>>, vector<16xf32>,
        tpu.vector_store %arg7[%swap3A_283, %swap3A_284], %gather3A_279 {strides = array<i32>} : memref<2x4096xf32, #tpu.memory_space<vmem>>, vector<16xf32>,
        %scan3A_286 = arith.constant 7 : i32
        %scan3A_287 = arith.addi %scan3A_185, %scan3A_286 : i32
        %mul3A_288 = arith.constant 16 : i32
        %mul3A_289 = arith.muli %scan3A_287, %mul3A_288 : i32
        %add3A_290 = arith.constant 8192 : i32
        %add3A_291 = arith.addi %add3A_290, %mul3A_289 : i32
        %get3A_292 = arith.index_cast %add3A_291 : i32 to index
        %get3A_293 = tpu.vector_load %arg6[%get3A_292] {strides = array<i32>} : memref<16384xi32, #tpu.memory_space<vmem>>, vector<16xi32>,
        %gather3A_294 = tpu.vector_load_idx %arg5[%get3A_293] : memref<100000xf32, #tpu.memory_space<vmem>>[vector<16xi32>], vector<16xf32>,
        %mul3A_295 = arith.constant 16 : i32
        %mul3A_296 = arith.muli %scan3A_287, %mul3A_295 : i32
        %swap3A_297 = arith.constant 0 : i32
        %swap3A_298 = arith.index_cast %swap3A_297 : i32 to index
        %swap3A_299 = arith.index_cast %mul3A_296 : i32 to index
        %swap3A_300 = tpu.vector_load %arg7[%swap3A_298, %swap3A_299] {strides = array<i32>} : memref<2x4096xf32, #tpu.memory_space<vmem>>, vector<16xf32>,
        tpu.vector_store %arg7[%swap3A_298, %swap3A_299], %gather3A_294 {strides = array<i32>} : memref<2x4096xf32, #tpu.memory_space<vmem>>, vector<16xf32>,
        %scan3A_301 = arith.constant 8 : i32
        %scan3A_302 = arith.addi %scan3A_185, %scan3A_301 : i32
        %mul3A_303 = arith.constant 16 : i32
        %mul3A_304 = arith.muli %scan3A_302, %mul3A_303 : i32
        %add3A_305 = arith.constant 8192 : i32
        %add3A_306 = arith.addi %add3A_305, %mul3A_304 : i32
        %get3A_307 = arith.index_cast %add3A_306 : i32 to index
        %get3A_308 = tpu.vector_load %arg6[%get3A_307] {strides = array<i32>} : memref<16384xi32, #tpu.memory_space<vmem>>, vector<16xi32>,
        %gather3A_309 = tpu.vector_load_idx %arg5[%get3A_308] : memref<100000xf32, #tpu.memory_space<vmem>>[vector<16xi32>], vector<16xf32>,
        %mul3A_310 = arith.constant 16 : i32
        %mul3A_311 = arith.muli %scan3A_302, %mul3A_310 : i32
        %swap3A_312 = arith.constant 0 : i32
        %swap3A_313 = arith.index_cast %swap3A_312 : i32 to index
        %swap3A_314 = arith.index_cast %mul3A_311 : i32 to index
        %swap3A_315 = tpu.vector_load %arg7[%swap3A_313, %swap3A_314] {strides = array<i32>} : memref<2x4096xf32, #tpu.memory_space<vmem>>, vector<16xf32>,
        tpu.vector_store %arg7[%swap3A_313, %swap3A_314], %gather3A_309 {strides = array<i32>} : memref<2x4096xf32, #tpu.memory_space<vmem>>, vector<16xf32>,
        %scan3A_316 = arith.constant 9 : i32
        %scan3A_317 = arith.addi %scan3A_185, %scan3A_316 : i32
        %mul3A_318 = arith.constant 16 : i32
        %mul3A_319 = arith.muli %scan3A_317, %mul3A_318 : i32
        %add3A_320 = arith.constant 8192 : i32
        %add3A_321 = arith.addi %add3A_320, %mul3A_319 : i32
        %get3A_322 = arith.index_cast %add3A_321 : i32 to index
        %get3A_323 = tpu.vector_load %arg6[%get3A_322] {strides = array<i32>} : memref<16384xi32, #tpu.memory_space<vmem>>, vector<16xi32>,
        %gather3A_324 = tpu.vector_load_idx %arg5[%get3A_323] : memref<100000xf32, #tpu.memory_space<vmem>>[vector<16xi32>], vector<16xf32>,
        %mul3A_325 = arith.constant 16 : i32
        %mul3A_326 = arith.muli %scan3A_317, %mul3A_325 : i32
        %swap3A_327 = arith.constant 0 : i32
        %swap3A_328 = arith.index_cast %swap3A_327 : i32 to index
        %swap3A_329 = arith.index_cast %mul3A_326 : i32 to index
        %swap3A_330 = tpu.vector_load %arg7[%swap3A_328, %swap3A_329] {strides = array<i32>} : memref<2x4096xf32, #tpu.memory_space<vmem>>, vector<16xf32>,
        tpu.vector_store %arg7[%swap3A_328, %swap3A_329], %gather3A_324 {strides = array<i32>} : memref<2x4096xf32, #tpu.memory_space<vmem>>, vector<16xf32>,
        %scan3A_331 = arith.constant 10 : i32
        %scan3A_332 = arith.addi %scan3A_185, %scan3A_331 : i32
        %mul3A_333 = arith.constant 16 : i32
        %mul3A_334 = arith.muli %scan3A_332, %mul3A_333 : i32
        %add3A_335 = arith.constant 8192 : i32
        %add3A_336 = arith.addi %add3A_335, %mul3A_334 : i32
        %get3A_337 = arith.index_cast %add3A_336 : i32 to index
        %get3A_338 = tpu.vector_load %arg6[%get3A_337] {strides = array<i32>} : memref<16384xi32, #tpu.memory_space<vmem>>, vector<16xi32>,
        %gather3A_339 = tpu.vector_load_idx %arg5[%get3A_338] : memref<100000xf32, #tpu.memory_space<vmem>>[vector<16xi32>], vector<16xf32>,
        %mul3A_340 = arith.constant 16 : i32
        %mul3A_341 = arith.muli %scan3A_332, %mul3A_340 : i32
        %swap3A_342 = arith.constant 0 : i32
        %swap3A_343 = arith.index_cast %swap3A_342 : i32 to index
        %swap3A_344 = arith.index_cast %mul3A_341 : i32 to index
        %swap3A_345 = tpu.vector_load %arg7[%swap3A_343, %swap3A_344] {strides = array<i32>} : memref<2x4096xf32, #tpu.memory_space<vmem>>, vector<16xf32>,
        tpu.vector_store %arg7[%swap3A_343, %swap3A_344], %gather3A_339 {strides = array<i32>} : memref<2x4096xf32, #tpu.memory_space<vmem>>, vector<16xf32>,
        %scan3A_346 = arith.constant 11 : i32
        %scan3A_347 = arith.addi %scan3A_185, %scan3A_346 : i32
        %mul3A_348 = arith.constant 16 : i32
        %mul3A_349 = arith.muli %scan3A_347, %mul3A_348 : i32
        %add3A_350 = arith.constant 8192 : i32
        %add3A_351 = arith.addi %add3A_350, %mul3A_349 : i32
        %get3A_352 = arith.index_cast %add3A_351 : i32 to index
        %get3A_353 = tpu.vector_load %arg6[%get3A_352] {strides = array<i32>} : memref<16384xi32, #tpu.memory_space<vmem>>, vector<16xi32>,
        %gather3A_354 = tpu.vector_load_idx %arg5[%get3A_353] : memref<100000xf32, #tpu.memory_space<vmem>>[vector<16xi32>], vector<16xf32>,
        %mul3A_355 = arith.constant 16 : i32
        %mul3A_356 = arith.muli %scan3A_347, %mul3A_355 : i32
        %swap3A_357 = arith.constant 0 : i32
        %swap3A_358 = arith.index_cast %swap3A_357 : i32 to index
        %swap3A_359 = arith.index_cast %mul3A_356 : i32 to index
        %swap3A_360 = tpu.vector_load %arg7[%swap3A_358, %swap3A_359] {strides = array<i32>} : memref<2x4096xf32, #tpu.memory_space<vmem>>, vector<16xf32>,
        tpu.vector_store %arg7[%swap3A_358, %swap3A_359], %gather3A_354 {strides = array<i32>} : memref<2x4096xf32, #tpu.memory_space<vmem>>, vector<16xf32>,
        %scan3A_361 = arith.constant 12 : i32
        %scan3A_362 = arith.addi %scan3A_185, %scan3A_361 : i32
        %mul3A_363 = arith.constant 16 : i32
        %mul3A_364 = arith.muli %scan3A_362, %mul3A_363 : i32
        %add3A_365 = arith.constant 8192 : i32
        %add3A_366 = arith.addi %add3A_365, %mul3A_364 : i32
        %get3A_367 = arith.index_cast %add3A_366 : i32 to index
        %get3A_368 = tpu.vector_load %arg6[%get3A_367] {strides = array<i32>} : memref<16384xi32, #tpu.memory_space<vmem>>, vector<16xi32>,
        %gather3A_369 = tpu.vector_load_idx %arg5[%get3A_368] : memref<100000xf32, #tpu.memory_space<vmem>>[vector<16xi32>], vector<16xf32>,
        %mul3A_370 = arith.constant 16 : i32
        %mul3A_371 = arith.muli %scan3A_362, %mul3A_370 : i32
        %swap3A_372 = arith.constant 0 : i32
        %swap3A_373 = arith.index_cast %swap3A_372 : i32 to index
        %swap3A_374 = arith.index_cast %mul3A_371 : i32 to index
        %swap3A_375 = tpu.vector_load %arg7[%swap3A_373, %swap3A_374] {strides = array<i32>} : memref<2x4096xf32, #tpu.memory_space<vmem>>, vector<16xf32>,
        tpu.vector_store %arg7[%swap3A_373, %swap3A_374], %gather3A_369 {strides = array<i32>} : memref<2x4096xf32, #tpu.memory_space<vmem>>, vector<16xf32>,
        %scan3A_376 = arith.constant 13 : i32
        %scan3A_377 = arith.addi %scan3A_185, %scan3A_376 : i32
        %mul3A_378 = arith.constant 16 : i32
        %mul3A_379 = arith.muli %scan3A_377, %mul3A_378 : i32
        %add3A_380 = arith.constant 8192 : i32
        %add3A_381 = arith.addi %add3A_380, %mul3A_379 : i32
        %get3A_382 = arith.index_cast %add3A_381 : i32 to index
        %get3A_383 = tpu.vector_load %arg6[%get3A_382] {strides = array<i32>} : memref<16384xi32, #tpu.memory_space<vmem>>, vector<16xi32>,
        %gather3A_384 = tpu.vector_load_idx %arg5[%get3A_383] : memref<100000xf32, #tpu.memory_space<vmem>>[vector<16xi32>], vector<16xf32>,
        %mul3A_385 = arith.constant 16 : i32
        %mul3A_386 = arith.muli %scan3A_377, %mul3A_385 : i32
        %swap3A_387 = arith.constant 0 : i32
        %swap3A_388 = arith.index_cast %swap3A_387 : i32 to index
        %swap3A_389 = arith.index_cast %mul3A_386 : i32 to index
        %swap3A_390 = tpu.vector_load %arg7[%swap3A_388, %swap3A_389] {strides = array<i32>} : memref<2x4096xf32, #tpu.memory_space<vmem>>, vector<16xf32>,
        tpu.vector_store %arg7[%swap3A_388, %swap3A_389], %gather3A_384 {strides = array<i32>} : memref<2x4096xf32, #tpu.memory_space<vmem>>, vector<16xf32>,
        %scan3A_391 = arith.constant 14 : i32
        %scan3A_392 = arith.addi %scan3A_185, %scan3A_391 : i32
        %mul3A_393 = arith.constant 16 : i32
        %mul3A_394 = arith.muli %scan3A_392, %mul3A_393 : i32
        %add3A_395 = arith.constant 8192 : i32
        %add3A_396 = arith.addi %add3A_395, %mul3A_394 : i32
        %get3A_397 = arith.index_cast %add3A_396 : i32 to index
        %get3A_398 = tpu.vector_load %arg6[%get3A_397] {strides = array<i32>} : memref<16384xi32, #tpu.memory_space<vmem>>, vector<16xi32>,
        %gather3A_399 = tpu.vector_load_idx %arg5[%get3A_398] : memref<100000xf32, #tpu.memory_space<vmem>>[vector<16xi32>], vector<16xf32>,
        %mul3A_400 = arith.constant 16 : i32
        %mul3A_401 = arith.muli %scan3A_392, %mul3A_400 : i32
        %swap3A_402 = arith.constant 0 : i32
        %swap3A_403 = arith.index_cast %swap3A_402 : i32 to index
        %swap3A_404 = arith.index_cast %mul3A_401 : i32 to index
        %swap3A_405 = tpu.vector_load %arg7[%swap3A_403, %swap3A_404] {strides = array<i32>} : memref<2x4096xf32, #tpu.memory_space<vmem>>, vector<16xf32>,
        tpu.vector_store %arg7[%swap3A_403, %swap3A_404], %gather3A_399 {strides = array<i32>} : memref<2x4096xf32, #tpu.memory_space<vmem>>, vector<16xf32>,
        %scan3A_406 = arith.constant 15 : i32
        %scan3A_407 = arith.addi %scan3A_185, %scan3A_406 : i32
        %mul3A_408 = arith.constant 16 : i32
        %mul3A_409 = arith.muli %scan3A_407, %mul3A_408 : i32
        %add3A_410 = arith.constant 8192 : i32
        %add3A_411 = arith.addi %add3A_410, %mul3A_409 : i32
        %get3A_412 = arith.index_cast %add3A_411 : i32 to index
        %get3A_413 = tpu.vector_load %arg6[%get3A_412] {strides = array<i32>} : memref<16384xi32, #tpu.memory_space<vmem>>, vector<16xi32>,
        %gather3A_414 = tpu.vector_load_idx %arg5[%get3A_413] : memref<100000xf32, #tpu.memory_space<vmem>>[vector<16xi32>], vector<16xf32>,
        %mul3A_415 = arith.constant 16 : i32
        %mul3A_416 = arith.muli %scan3A_407, %mul3A_415 : i32
        %swap3A_417 = arith.constant 0 : i32
        %swap3A_418 = arith.index_cast %swap3A_417 : i32 to index
        %swap3A_419 = arith.index_cast %mul3A_416 : i32 to index
        %swap3A_420 = tpu.vector_load %arg7[%swap3A_418, %swap3A_419] {strides = array<i32>} : memref<2x4096xf32, #tpu.memory_space<vmem>>, vector<16xf32>,
        tpu.vector_store %arg7[%swap3A_418, %swap3A_419], %gather3A_414 {strides = array<i32>} : memref<2x4096xf32, #tpu.memory_space<vmem>>, vector<16xf32>,
      }
      %scan3A_139 = arith.constant 256 : i32
      %dma_start3A_140 = arith.constant 0 : i32
      %dma_start3A_141 = arith.constant 0 : i32
      %dma_start3A_142 = tpu.memref_slice %arg7[%dma_start3A_140, %dma_start3A_141] : memref<2x4096xf32, #tpu.memory_space<vmem>> -> memref<1x4096xf32, #tpu.memory_space<vmem>>
      %dma_start3A_143 = tpu.memref_squeeze %dma_start3A_142 : memref<1x4096xf32, #tpu.memory_space<vmem>> -> memref<4096xf32, #tpu.memory_space<vmem>>
      %dma_start3A_144 = arith.constant 8192 : i32
      %dma_start3A_145 = tpu.memref_slice %arg4[%add3A_41, %dma_start3A_144] : memref<416x16384xf32, #tpu.memory_space<hbm>> -> memref<1x4096xf32, #tpu.memory_space<hbm>>
      %dma_start3A_146 = tpu.memref_squeeze %dma_start3A_145 : memref<1x4096xf32, #tpu.memory_space<hbm>> -> memref<4096xf32, #tpu.memory_space<hbm>>
      %dma_start3A_147 = arith.constant 8192 : i32
      %dma_start3A_148 = tpu.memref_slice %arg4[%add3A_41, %dma_start3A_147] : memref<416x16384xf32, #tpu.memory_space<hbm>> -> memref<1x4096xf32, #tpu.memory_space<hbm>>
      %dma_start3A_149 = tpu.memref_squeeze %dma_start3A_148 : memref<1x4096xf32, #tpu.memory_space<hbm>> -> memref<4096xf32, #tpu.memory_space<hbm>>
      %dma_start3A_150 = arith.constant 0 : i32
      %dma_start3A_151 = tpu.memref_slice %arg7[%dma_start3A_140, %dma_start3A_150] : memref<2x4096xf32, #tpu.memory_space<vmem>> -> memref<1x4096xf32, #tpu.memory_space<vmem>>
      %dma_start3A_152 = tpu.memref_squeeze %dma_start3A_151 : memref<1x4096xf32, #tpu.memory_space<vmem>> -> memref<4096xf32, #tpu.memory_space<vmem>>
      tpu.enqueue_dma source(%dma_start3A_152 : memref<4096xf32, #tpu.memory_space<vmem>>) target(%dma_start3A_149 : memref<4096xf32, #tpu.memory_space<hbm>>) target_semaphore(%arg9 : memref<!tpu.dma_semaphore, #tpu.memory_space<semaphore_mem>>)
      %dma_wait3A_153 = arith.constant 1 : i32
      %dma_wait3A_154 = arith.constant 0 : i32
      %dma_wait3A_155 = tpu.memref_slice %arg7[%dma_wait3A_153, %dma_wait3A_154] : memref<2x4096xf32, #tpu.memory_space<vmem>> -> memref<1x4096xf32, #tpu.memory_space<vmem>>
      %dma_wait3A_156 = tpu.memref_squeeze %dma_wait3A_155 : memref<1x4096xf32, #tpu.memory_space<vmem>> -> memref<4096xf32, #tpu.memory_space<vmem>>
      %dma_wait3A_157 = arith.constant 0 : i32
      %dma_wait3A_158 = tpu.memref_slice %arg4[%add3A_41, %dma_wait3A_157] : memref<416x16384xf32, #tpu.memory_space<hbm>> -> memref<1x4096xf32, #tpu.memory_space<hbm>>
      %dma_wait3A_159 = tpu.memref_squeeze %dma_wait3A_158 : memref<1x4096xf32, #tpu.memory_space<hbm>> -> memref<4096xf32, #tpu.memory_space<hbm>>
      %dma_wait3A_160 = arith.constant 0 : i32
      %dma_wait3A_161 = tpu.memref_slice %arg4[%add3A_41, %dma_wait3A_160] : memref<416x16384xf32, #tpu.memory_space<hbm>> -> memref<1x4096xf32, #tpu.memory_space<hbm>>
      %dma_wait3A_162 = tpu.memref_squeeze %dma_wait3A_161 : memref<1x4096xf32, #tpu.memory_space<hbm>> -> memref<4096xf32, #tpu.memory_space<hbm>>
      %dma_wait3A_163 = arith.constant 0 : i32
      %dma_wait3A_164 = tpu.memref_slice %arg7[%dma_wait3A_153, %dma_wait3A_163] : memref<2x4096xf32, #tpu.memory_space<vmem>> -> memref<1x4096xf32, #tpu.memory_space<vmem>>
      %dma_wait3A_165 = tpu.memref_squeeze %dma_wait3A_164 : memref<1x4096xf32, #tpu.memory_space<vmem>> -> memref<4096xf32, #tpu.memory_space<vmem>>
      tpu.wait_dma2 semaphore(%arg10 : memref<!tpu.dma_semaphore, #tpu.memory_space<semaphore_mem>>) src(%dma_wait3A_165 : memref<4096xf32, #tpu.memory_space<vmem>>) dst(%dma_wait3A_162 : memref<4096xf32, #tpu.memory_space<hbm>>)
      %scan3A_166 = arith.constant 0 : i32
      %scan3A_167 = arith.constant 0 : i32
      %scan3A_168 = arith.constant 256 : i32
      %scan3A_169 = arith.addi %scan3A_167, %scan3A_168 : i32
      %scan3A_170 = arith.constant 16 : i32
      scf.for %scan3A_185 = %scan3A_167 to %scan3A_169 step %scan3A_170  : i32 {
        %mul3A_186 = arith.constant 16 : i32
        %mul3A_187 = arith.muli %scan3A_185, %mul3A_186 : i32
        %add3A_188 = arith.constant 12288 : i32
        %add3A_189 = arith.addi %add3A_188, %mul3A_187 : i32
        %get3A = arith.index_cast %add3A_189 : i32 to index
        %get3A_190 = tpu.vector_load %arg6[%get3A] {strides = array<i32>} : memref<16384xi32, #tpu.memory_space<vmem>>, vector<16xi32>,
        %gather3A = tpu.vector_load_idx %arg5[%get3A_190] : memref<100000xf32, #tpu.memory_space<vmem>>[vector<16xi32>], vector<16xf32>,
        %mul3A_191 = arith.constant 16 : i32
        %mul3A_192 = arith.muli %scan3A_185, %mul3A_191 : i32
        %swap3A = arith.constant 1 : i32
        %swap3A_193 = arith.index_cast %swap3A : i32 to index
        %swap3A_194 = arith.index_cast %mul3A_192 : i32 to index
        %swap3A_195 = tpu.vector_load %arg7[%swap3A_193, %swap3A_194] {strides = array<i32>} : memref<2x4096xf32, #tpu.memory_space<vmem>>, vector<16xf32>,
        tpu.vector_store %arg7[%swap3A_193, %swap3A_194], %gather3A {strides = array<i32>} : memref<2x4096xf32, #tpu.memory_space<vmem>>, vector<16xf32>,
        %scan3A_196 = arith.constant 1 : i32
        %scan3A_197 = arith.addi %scan3A_185, %scan3A_196 : i32
        %mul3A_198 = arith.constant 16 : i32
        %mul3A_199 = arith.muli %scan3A_197, %mul3A_198 : i32
        %add3A_200 = arith.constant 12288 : i32
        %add3A_201 = arith.addi %add3A_200, %mul3A_199 : i32
        %get3A_202 = arith.index_cast %add3A_201 : i32 to index
        %get3A_203 = tpu.vector_load %arg6[%get3A_202] {strides = array<i32>} : memref<16384xi32, #tpu.memory_space<vmem>>, vector<16xi32>,
        %gather3A_204 = tpu.vector_load_idx %arg5[%get3A_203] : memref<100000xf32, #tpu.memory_space<vmem>>[vector<16xi32>], vector<16xf32>,
        %mul3A_205 = arith.constant 16 : i32
        %mul3A_206 = arith.muli %scan3A_197, %mul3A_205 : i32
        %swap3A_207 = arith.constant 1 : i32
        %swap3A_208 = arith.index_cast %swap3A_207 : i32 to index
        %swap3A_209 = arith.index_cast %mul3A_206 : i32 to index
        %swap3A_210 = tpu.vector_load %arg7[%swap3A_208, %swap3A_209] {strides = array<i32>} : memref<2x4096xf32, #tpu.memory_space<vmem>>, vector<16xf32>,
        tpu.vector_store %arg7[%swap3A_208, %swap3A_209], %gather3A_204 {strides = array<i32>} : memref<2x4096xf32, #tpu.memory_space<vmem>>, vector<16xf32>,
        %scan3A_211 = arith.constant 2 : i32
        %scan3A_212 = arith.addi %scan3A_185, %scan3A_211 : i32
        %mul3A_213 = arith.constant 16 : i32
        %mul3A_214 = arith.muli %scan3A_212, %mul3A_213 : i32
        %add3A_215 = arith.constant 12288 : i32
        %add3A_216 = arith.addi %add3A_215, %mul3A_214 : i32
        %get3A_217 = arith.index_cast %add3A_216 : i32 to index
        %get3A_218 = tpu.vector_load %arg6[%get3A_217] {strides = array<i32>} : memref<16384xi32, #tpu.memory_space<vmem>>, vector<16xi32>,
        %gather3A_219 = tpu.vector_load_idx %arg5[%get3A_218] : memref<100000xf32, #tpu.memory_space<vmem>>[vector<16xi32>], vector<16xf32>,
        %mul3A_220 = arith.constant 16 : i32
        %mul3A_221 = arith.muli %scan3A_212, %mul3A_220 : i32
        %swap3A_222 = arith.constant 1 : i32
        %swap3A_223 = arith.index_cast %swap3A_222 : i32 to index
        %swap3A_224 = arith.index_cast %mul3A_221 : i32 to index
        %swap3A_225 = tpu.vector_load %arg7[%swap3A_223, %swap3A_224] {strides = array<i32>} : memref<2x4096xf32, #tpu.memory_space<vmem>>, vector<16xf32>,
        tpu.vector_store %arg7[%swap3A_223, %swap3A_224], %gather3A_219 {strides = array<i32>} : memref<2x4096xf32, #tpu.memory_space<vmem>>, vector<16xf32>,
        %scan3A_226 = arith.constant 3 : i32
        %scan3A_227 = arith.addi %scan3A_185, %scan3A_226 : i32
        %mul3A_228 = arith.constant 16 : i32
        %mul3A_229 = arith.muli %scan3A_227, %mul3A_228 : i32
        %add3A_230 = arith.constant 12288 : i32
        %add3A_231 = arith.addi %add3A_230, %mul3A_229 : i32
        %get3A_232 = arith.index_cast %add3A_231 : i32 to index
        %get3A_233 = tpu.vector_load %arg6[%get3A_232] {strides = array<i32>} : memref<16384xi32, #tpu.memory_space<vmem>>, vector<16xi32>,
        %gather3A_234 = tpu.vector_load_idx %arg5[%get3A_233] : memref<100000xf32, #tpu.memory_space<vmem>>[vector<16xi32>], vector<16xf32>,
        %mul3A_235 = arith.constant 16 : i32
        %mul3A_236 = arith.muli %scan3A_227, %mul3A_235 : i32
        %swap3A_237 = arith.constant 1 : i32
        %swap3A_238 = arith.index_cast %swap3A_237 : i32 to index
        %swap3A_239 = arith.index_cast %mul3A_236 : i32 to index
        %swap3A_240 = tpu.vector_load %arg7[%swap3A_238, %swap3A_239] {strides = array<i32>} : memref<2x4096xf32, #tpu.memory_space<vmem>>, vector<16xf32>,
        tpu.vector_store %arg7[%swap3A_238, %swap3A_239], %gather3A_234 {strides = array<i32>} : memref<2x4096xf32, #tpu.memory_space<vmem>>, vector<16xf32>,
        %scan3A_241 = arith.constant 4 : i32
        %scan3A_242 = arith.addi %scan3A_185, %scan3A_241 : i32
        %mul3A_243 = arith.constant 16 : i32
        %mul3A_244 = arith.muli %scan3A_242, %mul3A_243 : i32
        %add3A_245 = arith.constant 12288 : i32
        %add3A_246 = arith.addi %add3A_245, %mul3A_244 : i32
        %get3A_247 = arith.index_cast %add3A_246 : i32 to index
        %get3A_248 = tpu.vector_load %arg6[%get3A_247] {strides = array<i32>} : memref<16384xi32, #tpu.memory_space<vmem>>, vector<16xi32>,
        %gather3A_249 = tpu.vector_load_idx %arg5[%get3A_248] : memref<100000xf32, #tpu.memory_space<vmem>>[vector<16xi32>], vector<16xf32>,
        %mul3A_250 = arith.constant 16 : i32
        %mul3A_251 = arith.muli %scan3A_242, %mul3A_250 : i32
        %swap3A_252 = arith.constant 1 : i32
        %swap3A_253 = arith.index_cast %swap3A_252 : i32 to index
        %swap3A_254 = arith.index_cast %mul3A_251 : i32 to index
        %swap3A_255 = tpu.vector_load %arg7[%swap3A_253, %swap3A_254] {strides = array<i32>} : memref<2x4096xf32, #tpu.memory_space<vmem>>, vector<16xf32>,
        tpu.vector_store %arg7[%swap3A_253, %swap3A_254], %gather3A_249 {strides = array<i32>} : memref<2x4096xf32, #tpu.memory_space<vmem>>, vector<16xf32>,
        %scan3A_256 = arith.constant 5 : i32
        %scan3A_257 = arith.addi %scan3A_185, %scan3A_256 : i32
        %mul3A_258 = arith.constant 16 : i32
        %mul3A_259 = arith.muli %scan3A_257, %mul3A_258 : i32
        %add3A_260 = arith.constant 12288 : i32
        %add3A_261 = arith.addi %add3A_260, %mul3A_259 : i32
        %get3A_262 = arith.index_cast %add3A_261 : i32 to index
        %get3A_263 = tpu.vector_load %arg6[%get3A_262] {strides = array<i32>} : memref<16384xi32, #tpu.memory_space<vmem>>, vector<16xi32>,
        %gather3A_264 = tpu.vector_load_idx %arg5[%get3A_263] : memref<100000xf32, #tpu.memory_space<vmem>>[vector<16xi32>], vector<16xf32>,
        %mul3A_265 = arith.constant 16 : i32
        %mul3A_266 = arith.muli %scan3A_257, %mul3A_265 : i32
        %swap3A_267 = arith.constant 1 : i32
        %swap3A_268 = arith.index_cast %swap3A_267 : i32 to index
        %swap3A_269 = arith.index_cast %mul3A_266 : i32 to index
        %swap3A_270 = tpu.vector_load %arg7[%swap3A_268, %swap3A_269] {strides = array<i32>} : memref<2x4096xf32, #tpu.memory_space<vmem>>, vector<16xf32>,
        tpu.vector_store %arg7[%swap3A_268, %swap3A_269], %gather3A_264 {strides = array<i32>} : memref<2x4096xf32, #tpu.memory_space<vmem>>, vector<16xf32>,
        %scan3A_271 = arith.constant 6 : i32
        %scan3A_272 = arith.addi %scan3A_185, %scan3A_271 : i32
        %mul3A_273 = arith.constant 16 : i32
        %mul3A_274 = arith.muli %scan3A_272, %mul3A_273 : i32
        %add3A_275 = arith.constant 12288 : i32
        %add3A_276 = arith.addi %add3A_275, %mul3A_274 : i32
        %get3A_277 = arith.index_cast %add3A_276 : i32 to index
        %get3A_278 = tpu.vector_load %arg6[%get3A_277] {strides = array<i32>} : memref<16384xi32, #tpu.memory_space<vmem>>, vector<16xi32>,
        %gather3A_279 = tpu.vector_load_idx %arg5[%get3A_278] : memref<100000xf32, #tpu.memory_space<vmem>>[vector<16xi32>], vector<16xf32>,
        %mul3A_280 = arith.constant 16 : i32
        %mul3A_281 = arith.muli %scan3A_272, %mul3A_280 : i32
        %swap3A_282 = arith.constant 1 : i32
        %swap3A_283 = arith.index_cast %swap3A_282 : i32 to index
        %swap3A_284 = arith.index_cast %mul3A_281 : i32 to index
        %swap3A_285 = tpu.vector_load %arg7[%swap3A_283, %swap3A_284] {strides = array<i32>} : memref<2x4096xf32, #tpu.memory_space<vmem>>, vector<16xf32>,
        tpu.vector_store %arg7[%swap3A_283, %swap3A_284], %gather3A_279 {strides = array<i32>} : memref<2x4096xf32, #tpu.memory_space<vmem>>, vector<16xf32>,
        %scan3A_286 = arith.constant 7 : i32
        %scan3A_287 = arith.addi %scan3A_185, %scan3A_286 : i32
        %mul3A_288 = arith.constant 16 : i32
        %mul3A_289 = arith.muli %scan3A_287, %mul3A_288 : i32
        %add3A_290 = arith.constant 12288 : i32
        %add3A_291 = arith.addi %add3A_290, %mul3A_289 : i32
        %get3A_292 = arith.index_cast %add3A_291 : i32 to index
        %get3A_293 = tpu.vector_load %arg6[%get3A_292] {strides = array<i32>} : memref<16384xi32, #tpu.memory_space<vmem>>, vector<16xi32>,
        %gather3A_294 = tpu.vector_load_idx %arg5[%get3A_293] : memref<100000xf32, #tpu.memory_space<vmem>>[vector<16xi32>], vector<16xf32>,
        %mul3A_295 = arith.constant 16 : i32
        %mul3A_296 = arith.muli %scan3A_287, %mul3A_295 : i32
        %swap3A_297 = arith.constant 1 : i32
        %swap3A_298 = arith.index_cast %swap3A_297 : i32 to index
        %swap3A_299 = arith.index_cast %mul3A_296 : i32 to index
        %swap3A_300 = tpu.vector_load %arg7[%swap3A_298, %swap3A_299] {strides = array<i32>} : memref<2x4096xf32, #tpu.memory_space<vmem>>, vector<16xf32>,
        tpu.vector_store %arg7[%swap3A_298, %swap3A_299], %gather3A_294 {strides = array<i32>} : memref<2x4096xf32, #tpu.memory_space<vmem>>, vector<16xf32>,
        %scan3A_301 = arith.constant 8 : i32
        %scan3A_302 = arith.addi %scan3A_185, %scan3A_301 : i32
        %mul3A_303 = arith.constant 16 : i32
        %mul3A_304 = arith.muli %scan3A_302, %mul3A_303 : i32
        %add3A_305 = arith.constant 12288 : i32
        %add3A_306 = arith.addi %add3A_305, %mul3A_304 : i32
        %get3A_307 = arith.index_cast %add3A_306 : i32 to index
        %get3A_308 = tpu.vector_load %arg6[%get3A_307] {strides = array<i32>} : memref<16384xi32, #tpu.memory_space<vmem>>, vector<16xi32>,
        %gather3A_309 = tpu.vector_load_idx %arg5[%get3A_308] : memref<100000xf32, #tpu.memory_space<vmem>>[vector<16xi32>], vector<16xf32>,
        %mul3A_310 = arith.constant 16 : i32
        %mul3A_311 = arith.muli %scan3A_302, %mul3A_310 : i32
        %swap3A_312 = arith.constant 1 : i32
        %swap3A_313 = arith.index_cast %swap3A_312 : i32 to index
        %swap3A_314 = arith.index_cast %mul3A_311 : i32 to index
        %swap3A_315 = tpu.vector_load %arg7[%swap3A_313, %swap3A_314] {strides = array<i32>} : memref<2x4096xf32, #tpu.memory_space<vmem>>, vector<16xf32>,
        tpu.vector_store %arg7[%swap3A_313, %swap3A_314], %gather3A_309 {strides = array<i32>} : memref<2x4096xf32, #tpu.memory_space<vmem>>, vector<16xf32>,
        %scan3A_316 = arith.constant 9 : i32
        %scan3A_317 = arith.addi %scan3A_185, %scan3A_316 : i32
        %mul3A_318 = arith.constant 16 : i32
        %mul3A_319 = arith.muli %scan3A_317, %mul3A_318 : i32
        %add3A_320 = arith.constant 12288 : i32
        %add3A_321 = arith.addi %add3A_320, %mul3A_319 : i32
        %get3A_322 = arith.index_cast %add3A_321 : i32 to index
        %get3A_323 = tpu.vector_load %arg6[%get3A_322] {strides = array<i32>} : memref<16384xi32, #tpu.memory_space<vmem>>, vector<16xi32>,
        %gather3A_324 = tpu.vector_load_idx %arg5[%get3A_323] : memref<100000xf32, #tpu.memory_space<vmem>>[vector<16xi32>], vector<16xf32>,
        %mul3A_325 = arith.constant 16 : i32
        %mul3A_326 = arith.muli %scan3A_317, %mul3A_325 : i32
        %swap3A_327 = arith.constant 1 : i32
        %swap3A_328 = arith.index_cast %swap3A_327 : i32 to index
        %swap3A_329 = arith.index_cast %mul3A_326 : i32 to index
        %swap3A_330 = tpu.vector_load %arg7[%swap3A_328, %swap3A_329] {strides = array<i32>} : memref<2x4096xf32, #tpu.memory_space<vmem>>, vector<16xf32>,
        tpu.vector_store %arg7[%swap3A_328, %swap3A_329], %gather3A_324 {strides = array<i32>} : memref<2x4096xf32, #tpu.memory_space<vmem>>, vector<16xf32>,
        %scan3A_331 = arith.constant 10 : i32
        %scan3A_332 = arith.addi %scan3A_185, %scan3A_331 : i32
        %mul3A_333 = arith.constant 16 : i32
        %mul3A_334 = arith.muli %scan3A_332, %mul3A_333 : i32
        %add3A_335 = arith.constant 12288 : i32
        %add3A_336 = arith.addi %add3A_335, %mul3A_334 : i32
        %get3A_337 = arith.index_cast %add3A_336 : i32 to index
        %get3A_338 = tpu.vector_load %arg6[%get3A_337] {strides = array<i32>} : memref<16384xi32, #tpu.memory_space<vmem>>, vector<16xi32>,
        %gather3A_339 = tpu.vector_load_idx %arg5[%get3A_338] : memref<100000xf32, #tpu.memory_space<vmem>>[vector<16xi32>], vector<16xf32>,
        %mul3A_340 = arith.constant 16 : i32
        %mul3A_341 = arith.muli %scan3A_332, %mul3A_340 : i32
        %swap3A_342 = arith.constant 1 : i32
        %swap3A_343 = arith.index_cast %swap3A_342 : i32 to index
        %swap3A_344 = arith.index_cast %mul3A_341 : i32 to index
        %swap3A_345 = tpu.vector_load %arg7[%swap3A_343, %swap3A_344] {strides = array<i32>} : memref<2x4096xf32, #tpu.memory_space<vmem>>, vector<16xf32>,
        tpu.vector_store %arg7[%swap3A_343, %swap3A_344], %gather3A_339 {strides = array<i32>} : memref<2x4096xf32, #tpu.memory_space<vmem>>, vector<16xf32>,
        %scan3A_346 = arith.constant 11 : i32
        %scan3A_347 = arith.addi %scan3A_185, %scan3A_346 : i32
        %mul3A_348 = arith.constant 16 : i32
        %mul3A_349 = arith.muli %scan3A_347, %mul3A_348 : i32
        %add3A_350 = arith.constant 12288 : i32
        %add3A_351 = arith.addi %add3A_350, %mul3A_349 : i32
        %get3A_352 = arith.index_cast %add3A_351 : i32 to index
        %get3A_353 = tpu.vector_load %arg6[%get3A_352] {strides = array<i32>} : memref<16384xi32, #tpu.memory_space<vmem>>, vector<16xi32>,
        %gather3A_354 = tpu.vector_load_idx %arg5[%get3A_353] : memref<100000xf32, #tpu.memory_space<vmem>>[vector<16xi32>], vector<16xf32>,
        %mul3A_355 = arith.constant 16 : i32
        %mul3A_356 = arith.muli %scan3A_347, %mul3A_355 : i32
        %swap3A_357 = arith.constant 1 : i32
        %swap3A_358 = arith.index_cast %swap3A_357 : i32 to index
        %swap3A_359 = arith.index_cast %mul3A_356 : i32 to index
        %swap3A_360 = tpu.vector_load %arg7[%swap3A_358, %swap3A_359] {strides = array<i32>} : memref<2x4096xf32, #tpu.memory_space<vmem>>, vector<16xf32>,
        tpu.vector_store %arg7[%swap3A_358, %swap3A_359], %gather3A_354 {strides = array<i32>} : memref<2x4096xf32, #tpu.memory_space<vmem>>, vector<16xf32>,
        %scan3A_361 = arith.constant 12 : i32
        %scan3A_362 = arith.addi %scan3A_185, %scan3A_361 : i32
        %mul3A_363 = arith.constant 16 : i32
        %mul3A_364 = arith.muli %scan3A_362, %mul3A_363 : i32
        %add3A_365 = arith.constant 12288 : i32
        %add3A_366 = arith.addi %add3A_365, %mul3A_364 : i32
        %get3A_367 = arith.index_cast %add3A_366 : i32 to index
        %get3A_368 = tpu.vector_load %arg6[%get3A_367] {strides = array<i32>} : memref<16384xi32, #tpu.memory_space<vmem>>, vector<16xi32>,
        %gather3A_369 = tpu.vector_load_idx %arg5[%get3A_368] : memref<100000xf32, #tpu.memory_space<vmem>>[vector<16xi32>], vector<16xf32>,
        %mul3A_370 = arith.constant 16 : i32
        %mul3A_371 = arith.muli %scan3A_362, %mul3A_370 : i32
        %swap3A_372 = arith.constant 1 : i32
        %swap3A_373 = arith.index_cast %swap3A_372 : i32 to index
        %swap3A_374 = arith.index_cast %mul3A_371 : i32 to index
        %swap3A_375 = tpu.vector_load %arg7[%swap3A_373, %swap3A_374] {strides = array<i32>} : memref<2x4096xf32, #tpu.memory_space<vmem>>, vector<16xf32>,
        tpu.vector_store %arg7[%swap3A_373, %swap3A_374], %gather3A_369 {strides = array<i32>} : memref<2x4096xf32, #tpu.memory_space<vmem>>, vector<16xf32>,
        %scan3A_376 = arith.constant 13 : i32
        %scan3A_377 = arith.addi %scan3A_185, %scan3A_376 : i32
        %mul3A_378 = arith.constant 16 : i32
        %mul3A_379 = arith.muli %scan3A_377, %mul3A_378 : i32
        %add3A_380 = arith.constant 12288 : i32
        %add3A_381 = arith.addi %add3A_380, %mul3A_379 : i32
        %get3A_382 = arith.index_cast %add3A_381 : i32 to index
        %get3A_383 = tpu.vector_load %arg6[%get3A_382] {strides = array<i32>} : memref<16384xi32, #tpu.memory_space<vmem>>, vector<16xi32>,
        %gather3A_384 = tpu.vector_load_idx %arg5[%get3A_383] : memref<100000xf32, #tpu.memory_space<vmem>>[vector<16xi32>], vector<16xf32>,
        %mul3A_385 = arith.constant 16 : i32
        %mul3A_386 = arith.muli %scan3A_377, %mul3A_385 : i32
        %swap3A_387 = arith.constant 1 : i32
        %swap3A_388 = arith.index_cast %swap3A_387 : i32 to index
        %swap3A_389 = arith.index_cast %mul3A_386 : i32 to index
        %swap3A_390 = tpu.vector_load %arg7[%swap3A_388, %swap3A_389] {strides = array<i32>} : memref<2x4096xf32, #tpu.memory_space<vmem>>, vector<16xf32>,
        tpu.vector_store %arg7[%swap3A_388, %swap3A_389], %gather3A_384 {strides = array<i32>} : memref<2x4096xf32, #tpu.memory_space<vmem>>, vector<16xf32>,
        %scan3A_391 = arith.constant 14 : i32
        %scan3A_392 = arith.addi %scan3A_185, %scan3A_391 : i32
        %mul3A_393 = arith.constant 16 : i32
        %mul3A_394 = arith.muli %scan3A_392, %mul3A_393 : i32
        %add3A_395 = arith.constant 12288 : i32
        %add3A_396 = arith.addi %add3A_395, %mul3A_394 : i32
        %get3A_397 = arith.index_cast %add3A_396 : i32 to index
        %get3A_398 = tpu.vector_load %arg6[%get3A_397] {strides = array<i32>} : memref<16384xi32, #tpu.memory_space<vmem>>, vector<16xi32>,
        %gather3A_399 = tpu.vector_load_idx %arg5[%get3A_398] : memref<100000xf32, #tpu.memory_space<vmem>>[vector<16xi32>], vector<16xf32>,
        %mul3A_400 = arith.constant 16 : i32
        %mul3A_401 = arith.muli %scan3A_392, %mul3A_400 : i32
        %swap3A_402 = arith.constant 1 : i32
        %swap3A_403 = arith.index_cast %swap3A_402 : i32 to index
        %swap3A_404 = arith.index_cast %mul3A_401 : i32 to index
        %swap3A_405 = tpu.vector_load %arg7[%swap3A_403, %swap3A_404] {strides = array<i32>} : memref<2x4096xf32, #tpu.memory_space<vmem>>, vector<16xf32>,
        tpu.vector_store %arg7[%swap3A_403, %swap3A_404], %gather3A_399 {strides = array<i32>} : memref<2x4096xf32, #tpu.memory_space<vmem>>, vector<16xf32>,
        %scan3A_406 = arith.constant 15 : i32
        %scan3A_407 = arith.addi %scan3A_185, %scan3A_406 : i32
        %mul3A_408 = arith.constant 16 : i32
        %mul3A_409 = arith.muli %scan3A_407, %mul3A_408 : i32
        %add3A_410 = arith.constant 12288 : i32
        %add3A_411 = arith.addi %add3A_410, %mul3A_409 : i32
        %get3A_412 = arith.index_cast %add3A_411 : i32 to index
        %get3A_413 = tpu.vector_load %arg6[%get3A_412] {strides = array<i32>} : memref<16384xi32, #tpu.memory_space<vmem>>, vector<16xi32>,
        %gather3A_414 = tpu.vector_load_idx %arg5[%get3A_413] : memref<100000xf32, #tpu.memory_space<vmem>>[vector<16xi32>], vector<16xf32>,
        %mul3A_415 = arith.constant 16 : i32
        %mul3A_416 = arith.muli %scan3A_407, %mul3A_415 : i32
        %swap3A_417 = arith.constant 1 : i32
        %swap3A_418 = arith.index_cast %swap3A_417 : i32 to index
        %swap3A_419 = arith.index_cast %mul3A_416 : i32 to index
        %swap3A_420 = tpu.vector_load %arg7[%swap3A_418, %swap3A_419] {strides = array<i32>} : memref<2x4096xf32, #tpu.memory_space<vmem>>, vector<16xf32>,
        tpu.vector_store %arg7[%swap3A_418, %swap3A_419], %gather3A_414 {strides = array<i32>} : memref<2x4096xf32, #tpu.memory_space<vmem>>, vector<16xf32>,
      }
      %scan3A_171 = arith.constant 256 : i32
      %dma_start3A_172 = arith.constant 1 : i32
      %dma_start3A_173 = arith.constant 0 : i32
      %dma_start3A_174 = tpu.memref_slice %arg7[%dma_start3A_172, %dma_start3A_173] : memref<2x4096xf32, #tpu.memory_space<vmem>> -> memref<1x4096xf32, #tpu.memory_space<vmem>>
      %dma_start3A_175 = tpu.memref_squeeze %dma_start3A_174 : memref<1x4096xf32, #tpu.memory_space<vmem>> -> memref<4096xf32, #tpu.memory_space<vmem>>
      %dma_start3A_176 = arith.constant 12288 : i32
      %dma_start3A_177 = tpu.memref_slice %arg4[%add3A_41, %dma_start3A_176] : memref<416x16384xf32, #tpu.memory_space<hbm>> -> memref<1x4096xf32, #tpu.memory_space<hbm>>
      %dma_start3A_178 = tpu.memref_squeeze %dma_start3A_177 : memref<1x4096xf32, #tpu.memory_space<hbm>> -> memref<4096xf32, #tpu.memory_space<hbm>>
      %dma_start3A_179 = arith.constant 12288 : i32
      %dma_start3A_180 = tpu.memref_slice %arg4[%add3A_41, %dma_start3A_179] : memref<416x16384xf32, #tpu.memory_space<hbm>> -> memref<1x4096xf32, #tpu.memory_space<hbm>>
      %dma_start3A_181 = tpu.memref_squeeze %dma_start3A_180 : memref<1x4096xf32, #tpu.memory_space<hbm>> -> memref<4096xf32, #tpu.memory_space<hbm>>
      %dma_start3A_182 = arith.constant 0 : i32
      %dma_start3A_183 = tpu.memref_slice %arg7[%dma_start3A_172, %dma_start3A_182] : memref<2x4096xf32, #tpu.memory_space<vmem>> -> memref<1x4096xf32, #tpu.memory_space<vmem>>
      %dma_start3A_184 = tpu.memref_squeeze %dma_start3A_183 : memref<1x4096xf32, #tpu.memory_space<vmem>> -> memref<4096xf32, #tpu.memory_space<vmem>>
      tpu.enqueue_dma source(%dma_start3A_184 : memref<4096xf32, #tpu.memory_space<vmem>>) target(%dma_start3A_181 : memref<4096xf32, #tpu.memory_space<hbm>>) target_semaphore(%arg10 : memref<!tpu.dma_semaphore, #tpu.memory_space<semaphore_mem>>)
      scf.yield %select_n3A : i32
    }
    %scan3A_6 = arith.constant 13 : i32
    %mul3A_7 = arith.constant 13 : i32
    %mul3A_8 = arith.muli %add3A, %mul3A_7 : i32
    %add3A_9 = arith.constant 13 : i32
    %add3A_10 = arith.addi %mul3A_8, %add3A_9 : i32
    %sub3A = arith.constant 1 : i32
    %sub3A_11 = arith.subi %add3A_10, %sub3A : i32
    %dma_wait3A = arith.constant 0 : i32
    %dma_wait3A_12 = arith.constant 0 : i32
    %dma_wait3A_13 = tpu.memref_slice %arg7[%dma_wait3A, %dma_wait3A_12] : memref<2x4096xf32, #tpu.memory_space<vmem>> -> memref<1x4096xf32, #tpu.memory_space<vmem>>
    %dma_wait3A_14 = tpu.memref_squeeze %dma_wait3A_13 : memref<1x4096xf32, #tpu.memory_space<vmem>> -> memref<4096xf32, #tpu.memory_space<vmem>>
    %dma_wait3A_15 = arith.constant 0 : i32
    %dma_wait3A_16 = tpu.memref_slice %arg4[%sub3A_11, %dma_wait3A_15] : memref<416x16384xf32, #tpu.memory_space<hbm>> -> memref<1x4096xf32, #tpu.memory_space<hbm>>
    %dma_wait3A_17 = tpu.memref_squeeze %dma_wait3A_16 : memref<1x4096xf32, #tpu.memory_space<hbm>> -> memref<4096xf32, #tpu.memory_space<hbm>>
    %dma_wait3A_18 = arith.constant 0 : i32
    %dma_wait3A_19 = tpu.memref_slice %arg4[%sub3A_11, %dma_wait3A_18] : memref<416x16384xf32, #tpu.memory_space<hbm>> -> memref<1x4096xf32, #tpu.memory_space<hbm>>
    %dma_wait3A_20 = tpu.memref_squeeze %dma_wait3A_19 : memref<1x4096xf32, #tpu.memory_space<hbm>> -> memref<4096xf32, #tpu.memory_space<hbm>>
    %dma_wait3A_21 = arith.constant 0 : i32
    %dma_wait3A_22 = tpu.memref_slice %arg7[%dma_wait3A, %dma_wait3A_21] : memref<2x4096xf32, #tpu.memory_space<vmem>> -> memref<1x4096xf32, #tpu.memory_space<vmem>>
    %dma_wait3A_23 = tpu.memref_squeeze %dma_wait3A_22 : memref<1x4096xf32, #tpu.memory_space<vmem>> -> memref<4096xf32, #tpu.memory_space<vmem>>
    tpu.wait_dma2 semaphore(%arg9 : memref<!tpu.dma_semaphore, #tpu.memory_space<semaphore_mem>>) src(%dma_wait3A_23 : memref<4096xf32, #tpu.memory_space<vmem>>) dst(%dma_wait3A_20 : memref<4096xf32, #tpu.memory_space<hbm>>)
    %dma_wait3A_24 = arith.constant 1 : i32
    %dma_wait3A_25 = arith.constant 0 : i32
    %dma_wait3A_26 = tpu.memref_slice %arg7[%dma_wait3A_24, %dma_wait3A_25] : memref<2x4096xf32, #tpu.memory_space<vmem>> -> memref<1x4096xf32, #tpu.memory_space<vmem>>
    %dma_wait3A_27 = tpu.memref_squeeze %dma_wait3A_26 : memref<1x4096xf32, #tpu.memory_space<vmem>> -> memref<4096xf32, #tpu.memory_space<vmem>>
    %dma_wait3A_28 = arith.constant 0 : i32
    %dma_wait3A_29 = tpu.memref_slice %arg4[%sub3A_11, %dma_wait3A_28] : memref<416x16384xf32, #tpu.memory_space<hbm>> -> memref<1x4096xf32, #tpu.memory_space<hbm>>
    %dma_wait3A_30 = tpu.memref_squeeze %dma_wait3A_29 : memref<1x4096xf32, #tpu.memory_space<hbm>> -> memref<4096xf32, #tpu.memory_space<hbm>>
    %dma_wait3A_31 = arith.constant 0 : i32
    %dma_wait3A_32 = tpu.memref_slice %arg4[%sub3A_11, %dma_wait3A_31] : memref<416x16384xf32, #tpu.memory_space<hbm>> -> memref<1x4096xf32, #tpu.memory_space<hbm>>
    %dma_wait3A_33 = tpu.memref_squeeze %dma_wait3A_32 : memref<1x4096xf32, #tpu.memory_space<hbm>> -> memref<4096xf32, #tpu.memory_space<hbm>>
    %dma_wait3A_34 = arith.constant 0 : i32
    %dma_wait3A_35 = tpu.memref_slice %arg7[%dma_wait3A_24, %dma_wait3A_34] : memref<2x4096xf32, #tpu.memory_space<vmem>> -> memref<1x4096xf32, #tpu.memory_space<vmem>>
    %dma_wait3A_36 = tpu.memref_squeeze %dma_wait3A_35 : memref<1x4096xf32, #tpu.memory_space<vmem>> -> memref<4096xf32, #tpu.memory_space<vmem>>
    tpu.wait_dma2 semaphore(%arg10 : memref<!tpu.dma_semaphore, #tpu.memory_space<semaphore_mem>>) src(%dma_wait3A_36 : memref<4096xf32, #tpu.memory_space<vmem>>) dst(%dma_wait3A_33 : memref<4096xf32, #tpu.memory_space<hbm>>)
    return
  }
}

</mosaic_0001>

<sc_bundles>
// kernel: kernel.3.cloned.1.call-start
scs
__scs_entry_jumppad:
0x0: {  	(pc) =	sbr.rel $0x88, $3  }
0x1: {  	(tag) =	ssettag $0x0;
	lr =	simm.s32 $0x1  }
0x2: {  	[smem:$0x3F9F] =	sst lr;
	_ =	strace $0xD0000000  }
0x3: {  	_ = 	snop  }
0x4: {  	_ = 	snop  }
0x5: {  	_ = 	snop  }
0x6: {  	_ = 	snop  }
0x7: {  	_ = 	snop  }
__scs_overlays_trampoline_lowered:
0x8: {  	[smem:$0x3FAE] =	sst s0  }
0x9: {  	[smem:$0x3FAF] =	sst s1  }
0xa: {  	[smem:$0x3FB0] =	sst s2  }
0xb: {  	[smem:$0x3FB1] =	sst s3  }
0xc: {  	[smem:$0x3FB2] =	sst s4  }
0xd: {  	[smem:$0x3FB3] =	sst s5  }
0xe: {  	[smem:$0x3FB4] =	sst s6  }
0xf: {  	[smem:$0x3FB5] =	sst s7  }
0x10: {  	[smem:$0x3FB6] =	sst s8  }
0x11: {  	[smem:$0x3FB7] =	sst s9;
	s0 =	simm.s32 @!p0 $0x0  }
0x12: {  	s1 =	sld [smem:$0x3F9D];
	s0 =	simm.s32 @p0 $0x1  }
0x13: {  	[smem:$0x3FB8] =	sst s0;
	s0 =	simm.s32 @!p1 $0x0  }
0x14: {  	s2 =	sld [smem:$0x3F9C];
	s0 =	simm.s32 @p1 $0x1  }
0x15: {  	[smem:$0x3FB9] =	sst s0;
	s0 =	simm.s32 @!p2 $0x0  }
0x16: {  	s3 =	sld [smem:$0x3FDB];
	s0 =	simm.s32 @p2 $0x1  }
0x17: {  	s4 =	simm.s32 $0x1BF5;
	[smem:$0x3FBB] =	sst s0  }
0x18: {  	s0 =	sld [smem:$0x3F9E];
	_ =	swait.ge [sflag:s4], $0x0  }
0x19: {  	s7 =	sld [smem:$0x3F9F]  }
0x1a: {  	s8 =	sadd.s32 $0xFFFFE003, lr  }
0x1b: {  	s9 =	sadd.s32 $0xFFFFFEF7, lr;
	s5 =	simm.s32 $0xFFFFFFFF;
	p2 =	slt.u32 s8, $0xFFFFF086  }
0x1c: {  	p1 =	slt.u32 s9, $0xF7A;
	s5 =	simm.s32 @!p2 $0x0  }
0x1d: {  	s5 =	simm.s32 @p1 $0x1;
	p0 =	seq.s32 s7, s2  }
0x1e: {  	s7 =	smul.u32 @!p0 $0xF7A, s2;
	p2 =	seq.s32 @!p0 s5, $0x0  }
0x1f: {  	s9 =	smul.u32 $0xF7A, s1;
	s8 =	simm.s32 @!p0 $0x1BF5;
	p2 =	por !p2, p0  }
0x20: {  	[sflag:s8] =	ssyncset.s32 @!p0 $0xFFFFF086;
	s6 =	sadd.s32 @!p0 s3, s7;
	s7 =	simm.s32 @!p0 $0x108  }
0x21: {  	s3 =	sadd.s32 s3, s9;
	s6 =	sadd.s32 @!p0 $0x88, s6;
	s7 =	simm.s32 @p2 $0x1082  }
0x22: {  	[simem:s7], [sflag:s8] =	dma.local @!p0 [hbm:s6], $0xF7A  }
0x23: {  	s9 =	sor.u32 $0xD0000000, s2;
	s6 =	simm.s32 $0x108;
	_ =	swait.ge @!p0 [sflag:s8], $0x0  }
0x24: {  	s3 =	sadd.s32 $0x88, s3;
	s6 =	simm.s32 @!p1 $0x1082;
	[sflag:s4] =	ssyncset.s32 $0xFFFFF086  }
0x25: {  	[simem:s6], [sflag:s4] =	dma.local [hbm:s3], $0xF7A  }
0x26: {  	[smem:$0x3F9F] =	sst s1;
	(tag) =	ssettag s2;
	_ =	strace s9  }
0x27: {  	s1 =	sld [smem:$0x3FAF]  }
0x28: {  	s2 =	sld [smem:$0x3FB0]  }
0x29: {  	s4 =	sld [smem:$0x3FB2]  }
0x2a: {  	p0 =	seq.s32 s5, $0x0;
	s5 =	sld [smem:$0x3FB3]  }
0x2b: {  	s6 =	sld [smem:$0x3FB4]  }
0x2c: {  	s7 =	sld [smem:$0x3FB5]  }
0x2d: {  	s3 =	simm.s32 $0x108;
	s8 =	sld [smem:$0x3FB6]  }
0x2e: {  	s3 =	simm.s32 @!p0 $0x1082;
	s9 =	sld [smem:$0x3FB7]  }
0x2f: {  	lr =	sadd.s32 s0, s3;
	s0 =	sld [smem:$0x3FAE]  }
0x30: {  	s3 =	sld [smem:$0x3FB1]  }
0x31: {  	[smem:$0x3FBA] =	sst s10  }
0x32: {  	s10 =	sld [smem:$0x3FB8];
	_ =	sdelay $0x3  }
0x33: {  	p0 =	seq.s32 s10, $0x1;
	s10 =	sld [smem:$0x3FBA];
	_ =	sdelay $0x3  }
0x34: {  	[smem:$0x3FBA] =	sst s10  }
0x35: {  	s10 =	sld [smem:$0x3FB9];
	_ =	sdelay $0x3  }
0x36: {  	p1 =	seq.s32 s10, $0x1;
	s10 =	sld [smem:$0x3FBA];
	_ =	sdelay $0x3  }
0x37: {  	[smem:$0x3FBA] =	sst s10  }
0x38: {  	s10 =	sld [smem:$0x3FBB]  }
0x39: {  	_ = 	snop;
	(pc) =	sbr.ind lr, $3  }
0x3a: {  	_ = 	snop  }
0x3b: {  	_ = 	snop  }
0x3c: {  	p2 =	seq.s32 s10, $0x1;
	s10 =	sld [smem:$0x3FBA]  }
0x3d: {  	_ =	shalt  }
0x3e: {  	_ =	shalt  }
0x3f: {  	_ =	shalt  }
0x40: {  	_ =	shalt  }
0x41: {  	_ =	shalt  }
0x42: {  	_ =	shalt  }
0x43: {  	_ =	shalt  }
0x44: {  	_ =	shalt  }
0x45: {  	_ =	shalt  }
0x46: {  	_ =	shalt  }
0x47: {  	_ =	shalt  }
0x48: {  	_ =	shalt  }
0x49: {  	_ =	shalt  }
0x4a: {  	_ =	shalt  }
0x4b: {  	_ =	shalt  }
0x4c: {  	_ =	shalt  }
0x4d: {  	_ =	shalt  }
0x4e: {  	_ =	shalt  }
0x4f: {  	_ =	shalt  }
0x50: {  	_ =	shalt  }
0x51: {  	_ =	shalt  }
0x52: {  	_ =	shalt  }
0x53: {  	_ =	shalt  }
0x54: {  	_ =	shalt  }
0x55: {  	_ =	shalt  }
0x56: {  	_ =	shalt  }
0x57: {  	_ =	shalt  }
0x58: {  	_ =	shalt  }
0x59: {  	_ =	shalt  }
0x5a: {  	_ =	shalt  }
0x5b: {  	_ =	shalt  }
0x5c: {  	_ =	shalt  }
0x5d: {  	_ =	shalt  }
0x5e: {  	_ =	shalt  }
0x5f: {  	_ =	shalt  }
0x60: {  	_ =	shalt  }
0x61: {  	_ =	shalt  }
0x62: {  	_ =	shalt  }
0x63: {  	_ =	shalt  }
0x64: {  	_ =	shalt  }
0x65: {  	_ =	shalt  }
0x66: {  	_ =	shalt  }
0x67: {  	_ =	shalt  }
0x68: {  	_ =	shalt  }
0x69: {  	_ =	shalt  }
0x6a: {  	_ =	shalt  }
0x6b: {  	_ =	shalt  }
0x6c: {  	_ =	shalt  }
0x6d: {  	_ =	shalt  }
0x6e: {  	_ =	shalt  }
0x6f: {  	_ =	shalt  }
0x70: {  	_ =	shalt  }
0x71: {  	_ =	shalt  }
0x72: {  	_ =	shalt  }
0x73: {  	_ =	shalt  }
0x74: {  	_ =	shalt  }
0x75: {  	_ =	shalt  }
0x76: {  	_ =	shalt  }
0x77: {  	_ =	shalt  }
0x78: {  	_ =	shalt  }
0x79: {  	_ =	shalt  }
0x7a: {  	_ =	shalt  }
0x7b: {  	_ =	shalt  }
0x7c: {  	_ =	shalt  }
0x7d: {  	_ =	shalt  }
0x7e: {  	_ =	shalt  }
0x7f: {  	_ =	shalt  }
0x80: {  	_ =	shalt  }
0x81: {  	_ =	shalt  }
0x82: {  	_ =	shalt  }
0x83: {  	_ =	shalt  }
0x84: {  	_ =	shalt  }
0x85: {  	_ =	shalt  }
0x86: {  	_ =	shalt  }
0x87: {  	_ =	shalt  }
.Lfunc_end0:
.L_simem_size_0:
called_computation_lowered:
.L_overlay_start_0:
0x88: {  	s2 =	sld [smem:$0x3FD9]  }
0x89: {  	s3 =	sld [smem:$0x3FFE];
	_ =	sdelay $0x1  }
0x8a: {  	s1 =	srdreg.scid  }
0x8b: {  	s0 =	sand.u32 $0x1, s1  }
0x8c: {  	s18 =	sshll.u32 s0, $0xA;
	s2 =	sadd.s32 s3, s2  }
0x8d: {  	s2 =	sadd.s32 s2, s18  }
0x8e: {  	[smem:$0x3FC6] =	sst s2  }
0x8f: {  	_ = 	snop  }
0x90: {  	s2 =	sld [smem:$0x3FC9]  }
0x91: {  	s19 =	sld [smem:$0x3FC8]  }
0x92: {  	s4 =	sld [smem:$0x3FD0];
	(tm) =	ssettm $0x1  }
0x93: {  	s5 =	sld [smem:$0x3FFB];
	_ =	sdelay $0x3  }
0x94: {  	_ =	strace s5  }
0x95: {  	s5 =	sld [smem:$0x3FFC];
	_ =	sdelay $0x3  }
0x96: {  	_ =	strace s5  }
0x97: {  	s5 =	sld [smem:$0x3FFD];
	_ =	sdelay $0x3  }
0x98: {  	_ =	strace s5  }
0x99: {  	_ =	strace $0x8FFFFFFF  }
0x9a: {  	s20 =	sld [smem:$0x3FDB];
	_ =	sdelay $0x1  }
0x9b: {  	s6 =	simm.s32 $_scs_section_size  }
0x9c: {  	s7 =	simm.s32 $_size__tile_overlayer_lowered;
	s8 =	simm.s32 $_tile_overlayer_lowered  }
0x9d: {  	s23 =	simm.s32 $0x1BFF;
	s22 =	sshll.u32 s8, $0x1;
	s5 =	sadd.s32 s6, s20  }
0x9e: {  	s9 =	simm.s32 $0x0;
	s21 =	sshll.u32 s7, $0x1;
	s7 =	sadd.s32 s22, s5  }
0x9f: {  	[timem:s9], [sflag:s23] =	dma.local [hbm:s7], s21  }
0xa0: {  	_ =	swait.ge [sflag:s23], s21  }
0xa1: {  	s6 =	ssub.s32 $0x0, s21;
	[sflag:s23] =	ssyncset.done $0x0  }
0xa2: {  	[sflag:s23] =	ssyncadd.s32 s6;
	_ =	sdelay $0x1  }
0xa3: {  	s24 =	simm.s32 $0x1B8B  }
0xa4: {  	_ =	swait.ge [sflag:s24], $0x1  }
0xa5: {  	[sflag:s24] =	ssyncset.done $0x0  }
0xa6: {  	s25 =	simm.s32 $0x1B8E;
	[sflag:s24] =	ssyncadd.s32 $0xFFFFFFFF  }
0xa7: {  	s26 =	simm.s32 $execute0_lowered;
	[smem:$0x3FD2] =	sst s25  }
0xa8: {  	s6 =	sshll.u32 s26, $0x1;
	_ =	strace $0x80000046;
	[dreg:$0x1] =	wrdreg $0xFFFFFFFF  }
0xa9: {  	s28 =	simm.s32 $_size_execute0_lowered;
	s5 =	sadd.s32 s5, s6;
	[dreg:$0x0] =	wrdreg $0x0  }
0xaa: {  	s6 =	sshll.u32 s28, $0x1;
	[dreg:$0x2] =	wrdreg s5  }
0xab: {  	[dreg:$0x3] =	wrdreg s6  }
0xac: {  	[dreg:$0x4] =	wrdreg $0xC0  }
0xad: {  	_ =	task [dreg:s9], $0x5FFFF  }
0xae: {  	[dreg:$0x1] =	wrdreg $0xFFFFFFFF  }
0xaf: {  	[dreg:$0x0] =	wrdreg $0x60  }
0xb0: {  	[dreg:$0x2] =	wrdreg s2  }
0xb1: {  	[dreg:$0x3] =	wrdreg s19  }
0xb2: {  	[dreg:$0x4] =	wrdreg s4  }
0xb3: {  	[dreg:$0x5] =	wrdreg $0x9  }
0xb4: {  	_ =	task.clear_ibuf [dreg:s9], $0x6FFFF;
	_ =	strace $0x90000046  }
0xb5: {  	s29 =	simm.s32 $0x9;
	_ =	strace $0x80000048  }
0xb6: {  	_ =	swait.ge [sflag:s29], $0x1  }
0xb7: {  	[sflag:s29] =	ssyncadd.s32 $0xFFFFFFFF  }
0xb8: {  	_ =	strace $0x90000048  }
0xb9: {  	_ =	sfence  }
0xba: {  	s30 =	sld [smem:$0x0];
	_ =	sdelay $0x2  }
0xbb: {  	s31 =	sshll.u32 s1, $0xD;
	s1 =	sshrl.u32 s1, $0x2  }
0xbc: {  	s3 =	sand.u32 $0x4000, s31;
	s1 =	sadd.s32 s1, s30  }
0xbd: {  	s0 =	sor.u32 s3, s0;
	s1 =	sshll.u32 s1, $0x11  }
0xbe: {  	s0 =	sor.u32 s1, s0  }
0xbf: {  	s0 =	sadd.s32 $0x8F2B, s0  }
0xc0: {  	[sflag:s0] =	ssyncadd.remote.s32 $0x1  }
0xc1: {  	_ =	sfence.sel $0xFFFF  }
0xc2: {  	[dreg:$0x0] =	wrdreg $0xFFFFFFFF;
	(pc) =	sbr.abs _section_cstart, $3  }
0xc3: {  	[dreg:$0x1] =	wrdreg $0xFFFFFFFF  }
0xc4: {  	_ =	task.clear_ibuf [dreg:s9], $0x2FFFF;
	_ =	strace $0x9FFFFFFF  }
0xc5: {  	(tm) =	ssettm $0x7FFFFFFF  }
tec
execute0_lowered:
.L_overlay_start_1:
0x0: {  	(tag) =	ssettag $0x1  }
0x1: {  	s1 =	rddreg [dreg:$0x0]  }
0x2: {  	s2 =	rddreg [dreg:$0x1]  }
0x3: {  	s4 =	rddreg [dreg:$0x2]  }
0x4: {  	s0 =	rddreg [dreg:$0x3];
	s6 =	srdreg.scid  }
0x5: {  	s5 =	simm.s32 $0x0;
	s3 =	stileid.u32;
	s11 =	simm.s32 $0x80  }
0x6: {  	s12 =	simm.s32 $0x400;
	s13 =	simm.s32 $0x1;
	s14 =	simm.s32 $0x2  }
0x7: {  	s15 =	simm.s32 $0x3;
	s16 =	simm.s32 $0x0;
	s6 =	sand.u32 $0x1, s6  }
0x8: {  	[smem:$0x7FF] =	sst s5;
	s8 =	sshll.u32 s3, $0x1;
	s7 =	ssub.s32 $0x2, s6  }
0x9: {  	_ =	strace $0x80000047;
	s6 =	sor.u32 s6, s8;
	s9 =	sshrl.u32 s7, $0x1  }
0xa: {  	s8 =	sadd.s32 $0x2000, s4;
	s6 =	smul.u32 $0xD, s6;
	s10 =	ssub.s32 s7, s9  }
0xb: {  	s7 =	sadd.s32 $0x1000, s4;
	s9 =	sadd.s32 $0x3000, s4;
	s10 =	smax.u32 s10, $0x1  }
.LBB2_1:
0xc: {  	s18 =	simm.s32 $0xFFFFFFFF;
	s17 =	simm.s32 $0x0  }
.LBB2_2:
0xd: {  	s19 =	sadd.s32 s6, s17  }
0xe: {  	s20 =	smov.u32 s18;
	s18 =	sshrl.u32 s19, $0x4;
	s21 =	sand.u32 $0x8, s19  }
0xf: {  	s22 =	smul.u32 $0x187000, s18;
	s21 =	sshrl.u32 s21, $0x3  }
0x10: {  	s21 =	smul.u32 $0xC3800, s21  }
0x11: {  	s23 =	sshll.u32 s19, $0x7  }
0x12: {  	s31 =	sand.u32 $0x380, s23;
	s21 =	sadd.s32 s22, s21  }
0x13: {  	s21 =	sor.u32 s31, s21  }
0x14: {  	s21 =	sshrl.u32 s21, $0x3  }
0x15: {  	p0 =	seq.s32 s18, s20;
	s21 =	sadd.s32 s2, s21  }
0x16: {  	[tilespmem:s5], [sflag:$0x1] =	stream.strided.gather [hbm4b:s21+s11], $0x18700, s12, s11, $0x38;
	[tilespmem:$0x1E700] =	vst v63  }
0x17: {  	s20 =	sshll.u32 @!p0 s18, $0xB;
	s21 =	sand.u32 @!p0 $0x70, s19  }
0x18: {  	s23 =	simm.s32 @!p0 $0x18700;
	s20 =	sand.u32 @!p0 $0xFFFC000, s20;
	s21 =	sadd.s32 @!p0 s1, s21  }
0x19: {  	s22 =	simm.s32 @!p0 $0x400;
	s20 =	sadd.s32 @!p0 s20, s21;
	s21 =	simm.s32 @!p0 $0x80  }
0x1a: {  	[tilespmem:s23], [sflag:$0x4] =	stream.strided.gather @!p0 [hbm4b:s20+s21], $0x4000, s22, s21, $0x38;
	[tilespmem:$0x1E700] =	vst v63  }
0x1b: {  	s20 =	simm.s32 @!p0 $0x4  }
0x1c: {  	_ =	swait.ge @!p0 [sflag:s20], $0x4000  }
0x1d: {  	[sflag:s20] =	ssyncset.done @!p0 $0x0  }
0x1e: {  	[sflag:s20] =	ssyncadd.s32 @!p0 $0xFFFFC000  }
0x1f: {  	_ =	swait.ge [sflag:s13], $0x18700  }
0x20: {  	p0 =	seq.s32 s17, $0x0;
	[sflag:s13] =	ssyncset.done $0x0  }
0x21: {  	s20 =	simm.s32 @!p0 $0x2;
	[sflag:s13] =	ssyncadd.s32 $0xFFFE7900  }
0x22: {  	_ =	swait.ge @!p0 [sflag:s20], $0x1000  }
0x23: {  	s21 =	simm.s32 $0x18780;
	[sflag:s20] =	ssyncset.done @!p0 $0x0  }
0x24: {  	s22 =	simm.s32 $0x1C800;
	[sflag:s20] =	ssyncadd.s32 @!p0 $0xFFFFF000;
	s20 =	simm.s32 $0xFFFFFFF0  }
.LBB2_3:
0x25: {  	v0 =	vld [tilespmem:s21+$0xFFFFFF80];
	_ =	sdelay $0x7  }
0x26: {  	v0 =	vld.idx.msk [tilespmem:v0+s5+$0x0], $0xffff;
	_ =	sdelay $0x4  }
0x27: {  	[tilespmem:s22+$0xFFFFFF00] =	vst v0  }
0x28: {  	v0 =	vld [tilespmem:s21+$0xFFFFFF90];
	_ =	sdelay $0x7  }
0x29: {  	v0 =	vld.idx.msk [tilespmem:v0+s5+$0x0], $0xffff;
	_ =	sdelay $0x4  }
0x2a: {  	[tilespmem:s22+$0xFFFFFF10] =	vst v0  }
0x2b: {  	v0 =	vld [tilespmem:s21+$0xFFFFFFA0];
	_ =	sdelay $0x7  }
0x2c: {  	v0 =	vld.idx.msk [tilespmem:v0+s5+$0x0], $0xffff;
	_ =	sdelay $0x4  }
0x2d: {  	[tilespmem:s22+$0xFFFFFF20] =	vst v0  }
0x2e: {  	v0 =	vld [tilespmem:s21+$0xFFFFFFB0];
	_ =	sdelay $0x7  }
0x2f: {  	v0 =	vld.idx.msk [tilespmem:v0+s5+$0x0], $0xffff;
	_ =	sdelay $0x4  }
0x30: {  	[tilespmem:s22+$0xFFFFFF30] =	vst v0  }
0x31: {  	v0 =	vld [tilespmem:s21+$0xFFFFFFC0];
	_ =	sdelay $0x7  }
0x32: {  	v0 =	vld.idx.msk [tilespmem:v0+s5+$0x0], $0xffff;
	_ =	sdelay $0x4  }
0x33: {  	[tilespmem:s22+$0xFFFFFF40] =	vst v0  }
0x34: {  	v0 =	vld [tilespmem:s21+$0xFFFFFFD0];
	_ =	sdelay $0x7  }
0x35: {  	v0 =	vld.idx.msk [tilespmem:v0+s5+$0x0], $0xffff;
	_ =	sdelay $0x4  }
0x36: {  	[tilespmem:s22+$0xFFFFFF50] =	vst v0  }
0x37: {  	v0 =	vld [tilespmem:s21+$0xFFFFFFE0];
	_ =	sdelay $0x7  }
0x38: {  	v0 =	vld.idx.msk [tilespmem:v0+s5+$0x0], $0xffff;
	_ =	sdelay $0x4  }
0x39: {  	[tilespmem:s22+$0xFFFFFF60] =	vst v0  }
0x3a: {  	v0 =	vld [tilespmem:s21+$0xFFFFFFF0];
	_ =	sdelay $0x7  }
0x3b: {  	v0 =	vld.idx.msk [tilespmem:v0+s5+$0x0], $0xffff;
	_ =	sdelay $0x4  }
0x3c: {  	[tilespmem:s22+$0xFFFFFF70] =	vst v0  }
0x3d: {  	v0 =	vld [tilespmem:s21+$0x0];
	_ =	sdelay $0x7  }
0x3e: {  	v0 =	vld.idx.msk [tilespmem:v0+s5+$0x0], $0xffff;
	_ =	sdelay $0x4  }
0x3f: {  	[tilespmem:s22+$0x0] =	vst v0  }
0x40: {  	v0 =	vld [tilespmem:s21+$0x10];
	_ =	sdelay $0x7  }
0x41: {  	v0 =	vld.idx.msk [tilespmem:v0+s5+$0x0], $0xffff;
	_ =	sdelay $0x4  }
0x42: {  	[tilespmem:s22+$0x10] =	vst v0  }
0x43: {  	v0 =	vld [tilespmem:s21+$0x20];
	_ =	sdelay $0x7  }
0x44: {  	v0 =	vld.idx.msk [tilespmem:v0+s5+$0x0], $0xffff;
	_ =	sdelay $0x4  }
0x45: {  	[tilespmem:s22+$0x20] =	vst v0  }
0x46: {  	v0 =	vld [tilespmem:s21+$0x30];
	_ =	sdelay $0x7  }
0x47: {  	v0 =	vld.idx.msk [tilespmem:v0+s5+$0x0], $0xffff;
	_ =	sdelay $0x4  }
0x48: {  	[tilespmem:s22+$0x30] =	vst v0  }
0x49: {  	v0 =	vld [tilespmem:s21+$0x40];
	_ =	sdelay $0x7  }
0x4a: {  	v0 =	vld.idx.msk [tilespmem:v0+s5+$0x0], $0xffff;
	_ =	sdelay $0x4  }
0x4b: {  	[tilespmem:s22+$0x40] =	vst v0  }
0x4c: {  	v0 =	vld [tilespmem:s21+$0x50];
	_ =	sdelay $0x7  }
0x4d: {  	v0 =	vld.idx.msk [tilespmem:v0+s5+$0x0], $0xffff;
	_ =	sdelay $0x4  }
0x4e: {  	[tilespmem:s22+$0x50] =	vst v0  }
0x4f: {  	v0 =	vld [tilespmem:s21+$0x60];
	_ =	sdelay $0x7  }
0x50: {  	v0 =	vld.idx.msk [tilespmem:v0+s5+$0x0], $0xffff;
	_ =	sdelay $0x4  }
0x51: {  	[tilespmem:s22+$0x60] =	vst v0  }
0x52: {  	v0 =	vld [tilespmem:s21+$0x70];
	_ =	sdelay $0x6  }
0x53: {  	s20 =	sadd.s32 $0x10, s20  }
0x54: {  	p1 =	slt.u32 s20, $0xF0;
	v0 =	vld.idx.msk [tilespmem:v0+s5+$0x0], $0xffff  }
.Ltmp0:
0x55: {  	_ = 	snop;
	(pc) =	sbr.rel @p1 .LBB2_3-.Ltmp0, $2  }
0x56: {  	_ =	sdelay $0x2  }
0x57: {  	s21 =	sadd.s32 $0x100, s21;
	[tilespmem:s22+$0x70] =	vst v0;
	s22 =	sadd.s32 $0x200, s22  }
0x58: {  	s20 =	sshll.u32 s19, $0xB;
	s31 =	sshll.u32 s19, $0x4  }
0x59: {  	s20 =	sand.u32 $0xFFFC000, s20;
	s19 =	sand.u32 $0x70, s31  }
0x5a: {  	s19 =	sor.u32 s19, s20  }
0x5b: {  	s21 =	simm.s32 $0x1C700;
	s20 =	sadd.s32 s4, s19  }
0x5c: {  	s22 =	simm.s32 $0x80;
	s23 =	simm.s32 $0x1C800;
	s24 =	sadd.s32 $0x0, s20  }
.LBB2_5:
0x5d: {  	[hbm4b:s24+s5] =	stream.linear.scatter [tilespmem:s21], [sflag:$0x2], $0x80, $0x38;
	[tilespmem:$0x1E700] =	vst v63  }
0x5e: {  	s24 =	smov.u32 s22;
	s21 =	smov.u32 s23;
	p1 =	sne.s32 s22, $0xF80  }
.Ltmp1:
0x5f: {  	s22 =	sadd.s32 $0x80, s22;
	(pc) =	sbr.rel @p1 .LBB2_5-.Ltmp1, $2  }
0x60: {  	_ =	sdelay $0x2  }
0x61: {  	s23 =	sadd.s32 $0x100, s23;
	s24 =	sadd.s32 s24, s20  }
0x62: {  	[hbm4b:s24+s5] =	stream.linear.scatter [tilespmem:s21], [sflag:$0x2], $0x80, $0x38;
	[tilespmem:$0x1E700] =	vst v63  }
0x63: {  	s20 =	simm.s32 @!p0 $0x3  }
0x64: {  	_ =	swait.ge @!p0 [sflag:s20], $0x1000  }
0x65: {  	s21 =	simm.s32 $0x197F0;
	[sflag:s20] =	ssyncset.done @!p0 $0x0  }
0x66: {  	s22 =	simm.s32 $0x1C880;
	[sflag:s20] =	ssyncadd.s32 @!p0 $0xFFFFF000;
	s20 =	simm.s32 $0xFFFFFFF0  }
.LBB2_7:
0x67: {  	v0 =	vld [tilespmem:s21+$0xFFFFFF10];
	_ =	sdelay $0x7  }
0x68: {  	v0 =	vld.idx.msk [tilespmem:v0+s5+$0x0], $0xffff;
	_ =	sdelay $0x4  }
0x69: {  	[tilespmem:s22+$0xFFFFFF00] =	vst v0  }
0x6a: {  	v0 =	vld [tilespmem:s21+$0xFFFFFF20];
	_ =	sdelay $0x7  }
0x6b: {  	v0 =	vld.idx.msk [tilespmem:v0+s5+$0x0], $0xffff;
	_ =	sdelay $0x4  }
0x6c: {  	[tilespmem:s22+$0xFFFFFF10] =	vst v0  }
0x6d: {  	v0 =	vld [tilespmem:s21+$0xFFFFFF30];
	_ =	sdelay $0x7  }
0x6e: {  	v0 =	vld.idx.msk [tilespmem:v0+s5+$0x0], $0xffff;
	_ =	sdelay $0x4  }
0x6f: {  	[tilespmem:s22+$0xFFFFFF20] =	vst v0  }
0x70: {  	v0 =	vld [tilespmem:s21+$0xFFFFFF40];
	_ =	sdelay $0x7  }
0x71: {  	v0 =	vld.idx.msk [tilespmem:v0+s5+$0x0], $0xffff;
	_ =	sdelay $0x4  }
0x72: {  	[tilespmem:s22+$0xFFFFFF30] =	vst v0  }
0x73: {  	v0 =	vld [tilespmem:s21+$0xFFFFFF50];
	_ =	sdelay $0x7  }
0x74: {  	v0 =	vld.idx.msk [tilespmem:v0+s5+$0x0], $0xffff;
	_ =	sdelay $0x4  }
0x75: {  	[tilespmem:s22+$0xFFFFFF40] =	vst v0  }
0x76: {  	v0 =	vld [tilespmem:s21+$0xFFFFFF60];
	_ =	sdelay $0x7  }
0x77: {  	v0 =	vld.idx.msk [tilespmem:v0+s5+$0x0], $0xffff;
	_ =	sdelay $0x4  }
0x78: {  	[tilespmem:s22+$0xFFFFFF50] =	vst v0  }
0x79: {  	v0 =	vld [tilespmem:s21+$0xFFFFFF70];
	_ =	sdelay $0x7  }
0x7a: {  	v0 =	vld.idx.msk [tilespmem:v0+s5+$0x0], $0xffff;
	_ =	sdelay $0x4  }
0x7b: {  	[tilespmem:s22+$0xFFFFFF60] =	vst v0  }
0x7c: {  	v0 =	vld [tilespmem:s21+$0xFFFFFF80];
	_ =	sdelay $0x7  }
0x7d: {  	v0 =	vld.idx.msk [tilespmem:v0+s5+$0x0], $0xffff;
	_ =	sdelay $0x4  }
0x7e: {  	[tilespmem:s22+$0xFFFFFF70] =	vst v0  }
0x7f: {  	v0 =	vld [tilespmem:s21+$0xFFFFFF90];
	_ =	sdelay $0x7  }
0x80: {  	v0 =	vld.idx.msk [tilespmem:v0+s5+$0x0], $0xffff;
	_ =	sdelay $0x4  }
0x81: {  	[tilespmem:s22+$0x0] =	vst v0  }
0x82: {  	v0 =	vld [tilespmem:s21+$0xFFFFFFA0];
	_ =	sdelay $0x7  }
0x83: {  	v0 =	vld.idx.msk [tilespmem:v0+s5+$0x0], $0xffff;
	_ =	sdelay $0x4  }
0x84: {  	[tilespmem:s22+$0x10] =	vst v0  }
0x85: {  	v0 =	vld [tilespmem:s21+$0xFFFFFFB0];
	_ =	sdelay $0x7  }
0x86: {  	v0 =	vld.idx.msk [tilespmem:v0+s5+$0x0], $0xffff;
	_ =	sdelay $0x4  }
0x87: {  	[tilespmem:s22+$0x20] =	vst v0  }
0x88: {  	v0 =	vld [tilespmem:s21+$0xFFFFFFC0];
	_ =	sdelay $0x7  }
0x89: {  	v0 =	vld.idx.msk [tilespmem:v0+s5+$0x0], $0xffff;
	_ =	sdelay $0x4  }
0x8a: {  	[tilespmem:s22+$0x30] =	vst v0  }
0x8b: {  	v0 =	vld [tilespmem:s21+$0xFFFFFFD0];
	_ =	sdelay $0x7  }
0x8c: {  	v0 =	vld.idx.msk [tilespmem:v0+s5+$0x0], $0xffff;
	_ =	sdelay $0x4  }
0x8d: {  	[tilespmem:s22+$0x40] =	vst v0  }
0x8e: {  	v0 =	vld [tilespmem:s21+$0xFFFFFFE0];
	_ =	sdelay $0x7  }
0x8f: {  	v0 =	vld.idx.msk [tilespmem:v0+s5+$0x0], $0xffff;
	_ =	sdelay $0x4  }
0x90: {  	[tilespmem:s22+$0x50] =	vst v0  }
0x91: {  	v0 =	vld [tilespmem:s21+$0xFFFFFFF0];
	_ =	sdelay $0x7  }
0x92: {  	v0 =	vld.idx.msk [tilespmem:v0+s5+$0x0], $0xffff;
	_ =	sdelay $0x4  }
0x93: {  	[tilespmem:s22+$0x60] =	vst v0  }
0x94: {  	v0 =	vld [tilespmem:s21+$0x0];
	_ =	sdelay $0x6  }
0x95: {  	s20 =	sadd.s32 $0x10, s20  }
0x96: {  	p0 =	slt.u32 s20, $0xF0;
	v0 =	vld.idx.msk [tilespmem:v0+s5+$0x0], $0xffff  }
.Ltmp2:
0x97: {  	_ = 	snop;
	(pc) =	sbr.rel @p0 .LBB2_7-.Ltmp2, $2  }
0x98: {  	_ =	sdelay $0x2  }
0x99: {  	s21 =	sadd.s32 $0x100, s21;
	[tilespmem:s22+$0x70] =	vst v0;
	s22 =	sadd.s32 $0x200, s22  }
0x9a: {  	s20 =	sadd.s32 s19, s7;
	s21 =	simm.s32 $0x1C780  }
0x9b: {  	s22 =	simm.s32 $0x80;
	s23 =	simm.s32 $0x1C880;
	s24 =	sadd.s32 $0x0, s20  }
.LBB2_9:
0x9c: {  	[hbm4b:s24+s5] =	stream.linear.scatter [tilespmem:s21], [sflag:$0x3], $0x80, $0x38;
	[tilespmem:$0x1E700] =	vst v63  }
0x9d: {  	s24 =	smov.u32 s22;
	s21 =	smov.u32 s23;
	p0 =	sne.s32 s22, $0xF80  }
.Ltmp3:
0x9e: {  	s22 =	sadd.s32 $0x80, s22;
	(pc) =	sbr.rel @p0 .LBB2_9-.Ltmp3, $2  }
0x9f: {  	_ =	sdelay $0x2  }
0xa0: {  	s23 =	sadd.s32 $0x100, s23;
	s24 =	sadd.s32 s24, s20  }
0xa1: {  	[hbm4b:s24+s5] =	stream.linear.scatter [tilespmem:s21], [sflag:$0x3], $0x80, $0x38;
	[tilespmem:$0x1E700] =	vst v63  }
0xa2: {  	_ =	swait.ge [sflag:s14], $0x1000  }
0xa3: {  	s20 =	simm.s32 $0xFFFFFFF0;
	[sflag:s14] =	ssyncset.done $0x0  }
0xa4: {  	s21 =	simm.s32 $0x1A7F0;
	s22 =	simm.s32 $0x1C800;
	[sflag:s14] =	ssyncadd.s32 $0xFFFFF000  }
.LBB2_11:
0xa5: {  	v0 =	vld [tilespmem:s21+$0xFFFFFF10];
	_ =	sdelay $0x7  }
0xa6: {  	v0 =	vld.idx.msk [tilespmem:v0+s5+$0x0], $0xffff;
	_ =	sdelay $0x4  }
0xa7: {  	[tilespmem:s22+$0xFFFFFF00] =	vst v0  }
0xa8: {  	v0 =	vld [tilespmem:s21+$0xFFFFFF20];
	_ =	sdelay $0x7  }
0xa9: {  	v0 =	vld.idx.msk [tilespmem:v0+s5+$0x0], $0xffff;
	_ =	sdelay $0x4  }
0xaa: {  	[tilespmem:s22+$0xFFFFFF10] =	vst v0  }
0xab: {  	v0 =	vld [tilespmem:s21+$0xFFFFFF30];
	_ =	sdelay $0x7  }
0xac: {  	v0 =	vld.idx.msk [tilespmem:v0+s5+$0x0], $0xffff;
	_ =	sdelay $0x4  }
0xad: {  	[tilespmem:s22+$0xFFFFFF20] =	vst v0  }
0xae: {  	v0 =	vld [tilespmem:s21+$0xFFFFFF40];
	_ =	sdelay $0x7  }
0xaf: {  	v0 =	vld.idx.msk [tilespmem:v0+s5+$0x0], $0xffff;
	_ =	sdelay $0x4  }
0xb0: {  	[tilespmem:s22+$0xFFFFFF30] =	vst v0  }
0xb1: {  	v0 =	vld [tilespmem:s21+$0xFFFFFF50];
	_ =	sdelay $0x7  }
0xb2: {  	v0 =	vld.idx.msk [tilespmem:v0+s5+$0x0], $0xffff;
	_ =	sdelay $0x4  }
0xb3: {  	[tilespmem:s22+$0xFFFFFF40] =	vst v0  }
0xb4: {  	v0 =	vld [tilespmem:s21+$0xFFFFFF60];
	_ =	sdelay $0x7  }
0xb5: {  	v0 =	vld.idx.msk [tilespmem:v0+s5+$0x0], $0xffff;
	_ =	sdelay $0x4  }
0xb6: {  	[tilespmem:s22+$0xFFFFFF50] =	vst v0  }
0xb7: {  	v0 =	vld [tilespmem:s21+$0xFFFFFF70];
	_ =	sdelay $0x7  }
0xb8: {  	v0 =	vld.idx.msk [tilespmem:v0+s5+$0x0], $0xffff;
	_ =	sdelay $0x4  }
0xb9: {  	[tilespmem:s22+$0xFFFFFF60] =	vst v0  }
0xba: {  	v0 =	vld [tilespmem:s21+$0xFFFFFF80];
	_ =	sdelay $0x7  }
0xbb: {  	v0 =	vld.idx.msk [tilespmem:v0+s5+$0x0], $0xffff;
	_ =	sdelay $0x4  }
0xbc: {  	[tilespmem:s22+$0xFFFFFF70] =	vst v0  }
0xbd: {  	v0 =	vld [tilespmem:s21+$0xFFFFFF90];
	_ =	sdelay $0x7  }
0xbe: {  	v0 =	vld.idx.msk [tilespmem:v0+s5+$0x0], $0xffff;
	_ =	sdelay $0x4  }
0xbf: {  	[tilespmem:s22+$0x0] =	vst v0  }
0xc0: {  	v0 =	vld [tilespmem:s21+$0xFFFFFFA0];
	_ =	sdelay $0x7  }
0xc1: {  	v0 =	vld.idx.msk [tilespmem:v0+s5+$0x0], $0xffff;
	_ =	sdelay $0x4  }
0xc2: {  	[tilespmem:s22+$0x10] =	vst v0  }
0xc3: {  	v0 =	vld [tilespmem:s21+$0xFFFFFFB0];
	_ =	sdelay $0x7  }
0xc4: {  	v0 =	vld.idx.msk [tilespmem:v0+s5+$0x0], $0xffff;
	_ =	sdelay $0x4  }
0xc5: {  	[tilespmem:s22+$0x20] =	vst v0  }
0xc6: {  	v0 =	vld [tilespmem:s21+$0xFFFFFFC0];
	_ =	sdelay $0x7  }
0xc7: {  	v0 =	vld.idx.msk [tilespmem:v0+s5+$0x0], $0xffff;
	_ =	sdelay $0x4  }
0xc8: {  	[tilespmem:s22+$0x30] =	vst v0  }
0xc9: {  	v0 =	vld [tilespmem:s21+$0xFFFFFFD0];
	_ =	sdelay $0x7  }
0xca: {  	v0 =	vld.idx.msk [tilespmem:v0+s5+$0x0], $0xffff;
	_ =	sdelay $0x4  }
0xcb: {  	[tilespmem:s22+$0x40] =	vst v0  }
0xcc: {  	v0 =	vld [tilespmem:s21+$0xFFFFFFE0];
	_ =	sdelay $0x7  }
0xcd: {  	v0 =	vld.idx.msk [tilespmem:v0+s5+$0x0], $0xffff;
	_ =	sdelay $0x4  }
0xce: {  	[tilespmem:s22+$0x50] =	vst v0  }
0xcf: {  	v0 =	vld [tilespmem:s21+$0xFFFFFFF0];
	_ =	sdelay $0x7  }
0xd0: {  	v0 =	vld.idx.msk [tilespmem:v0+s5+$0x0], $0xffff;
	_ =	sdelay $0x4  }
0xd1: {  	[tilespmem:s22+$0x60] =	vst v0  }
0xd2: {  	v0 =	vld [tilespmem:s21+$0x0];
	_ =	sdelay $0x6  }
0xd3: {  	s20 =	sadd.s32 $0x10, s20  }
0xd4: {  	p0 =	slt.u32 s20, $0xF0;
	v0 =	vld.idx.msk [tilespmem:v0+s5+$0x0], $0xffff  }
.Ltmp4:
0xd5: {  	_ = 	snop;
	(pc) =	sbr.rel @p0 .LBB2_11-.Ltmp4, $2  }
0xd6: {  	_ =	sdelay $0x2  }
0xd7: {  	s21 =	sadd.s32 $0x100, s21;
	[tilespmem:s22+$0x70] =	vst v0;
	s22 =	sadd.s32 $0x200, s22  }
0xd8: {  	s20 =	sadd.s32 s19, s8;
	s21 =	simm.s32 $0x1C700  }
0xd9: {  	s22 =	simm.s32 $0x80;
	s23 =	simm.s32 $0x1C800;
	s24 =	sadd.s32 $0x0, s20  }
.LBB2_13:
0xda: {  	[hbm4b:s24+s5] =	stream.linear.scatter [tilespmem:s21], [sflag:$0x2], $0x80, $0x38;
	[tilespmem:$0x1E700] =	vst v63  }
0xdb: {  	s24 =	smov.u32 s22;
	s21 =	smov.u32 s23;
	p0 =	sne.s32 s22, $0xF80  }
.Ltmp5:
0xdc: {  	s22 =	sadd.s32 $0x80, s22;
	(pc) =	sbr.rel @p0 .LBB2_13-.Ltmp5, $2  }
0xdd: {  	_ =	sdelay $0x2  }
0xde: {  	s23 =	sadd.s32 $0x100, s23;
	s24 =	sadd.s32 s24, s20  }
0xdf: {  	[hbm4b:s24+s5] =	stream.linear.scatter [tilespmem:s21], [sflag:$0x2], $0x80, $0x38;
	[tilespmem:$0x1E700] =	vst v63  }
0xe0: {  	_ =	swait.ge [sflag:s15], $0x1000  }
0xe1: {  	s20 =	simm.s32 $0xFFFFFFF0;
	[sflag:s15] =	ssyncset.done $0x0  }
0xe2: {  	s21 =	simm.s32 $0x1B7F0;
	s22 =	simm.s32 $0x1C880;
	[sflag:s15] =	ssyncadd.s32 $0xFFFFF000  }
.LBB2_15:
0xe3: {  	v0 =	vld [tilespmem:s21+$0xFFFFFF10];
	_ =	sdelay $0x7  }
0xe4: {  	v0 =	vld.idx.msk [tilespmem:v0+s5+$0x0], $0xffff;
	_ =	sdelay $0x4  }
0xe5: {  	[tilespmem:s22+$0xFFFFFF00] =	vst v0  }
0xe6: {  	v0 =	vld [tilespmem:s21+$0xFFFFFF20];
	_ =	sdelay $0x7  }
0xe7: {  	v0 =	vld.idx.msk [tilespmem:v0+s5+$0x0], $0xffff;
	_ =	sdelay $0x4  }
0xe8: {  	[tilespmem:s22+$0xFFFFFF10] =	vst v0  }
0xe9: {  	v0 =	vld [tilespmem:s21+$0xFFFFFF30];
	_ =	sdelay $0x7  }
0xea: {  	v0 =	vld.idx.msk [tilespmem:v0+s5+$0x0], $0xffff;
	_ =	sdelay $0x4  }
0xeb: {  	[tilespmem:s22+$0xFFFFFF20] =	vst v0  }
0xec: {  	v0 =	vld [tilespmem:s21+$0xFFFFFF40];
	_ =	sdelay $0x7  }
0xed: {  	v0 =	vld.idx.msk [tilespmem:v0+s5+$0x0], $0xffff;
	_ =	sdelay $0x4  }
0xee: {  	[tilespmem:s22+$0xFFFFFF30] =	vst v0  }
0xef: {  	v0 =	vld [tilespmem:s21+$0xFFFFFF50];
	_ =	sdelay $0x7  }
0xf0: {  	v0 =	vld.idx.msk [tilespmem:v0+s5+$0x0], $0xffff;
	_ =	sdelay $0x4  }
0xf1: {  	[tilespmem:s22+$0xFFFFFF40] =	vst v0  }
0xf2: {  	v0 =	vld [tilespmem:s21+$0xFFFFFF60];
	_ =	sdelay $0x7  }
0xf3: {  	v0 =	vld.idx.msk [tilespmem:v0+s5+$0x0], $0xffff;
	_ =	sdelay $0x4  }
0xf4: {  	[tilespmem:s22+$0xFFFFFF50] =	vst v0  }
0xf5: {  	v0 =	vld [tilespmem:s21+$0xFFFFFF70];
	_ =	sdelay $0x7  }
0xf6: {  	v0 =	vld.idx.msk [tilespmem:v0+s5+$0x0], $0xffff;
	_ =	sdelay $0x4  }
0xf7: {  	[tilespmem:s22+$0xFFFFFF60] =	vst v0  }
0xf8: {  	v0 =	vld [tilespmem:s21+$0xFFFFFF80];
	_ =	sdelay $0x7  }
0xf9: {  	v0 =	vld.idx.msk [tilespmem:v0+s5+$0x0], $0xffff;
	_ =	sdelay $0x4  }
0xfa: {  	[tilespmem:s22+$0xFFFFFF70] =	vst v0  }
0xfb: {  	v0 =	vld [tilespmem:s21+$0xFFFFFF90];
	_ =	sdelay $0x7  }
0xfc: {  	v0 =	vld.idx.msk [tilespmem:v0+s5+$0x0], $0xffff;
	_ =	sdelay $0x4  }
0xfd: {  	[tilespmem:s22+$0x0] =	vst v0  }
0xfe: {  	v0 =	vld [tilespmem:s21+$0xFFFFFFA0];
	_ =	sdelay $0x7  }
0xff: {  	v0 =	vld.idx.msk [tilespmem:v0+s5+$0x0], $0xffff;
	_ =	sdelay $0x4  }
0x100: {  	[tilespmem:s22+$0x10] =	vst v0  }
0x101: {  	v0 =	vld [tilespmem:s21+$0xFFFFFFB0];
	_ =	sdelay $0x7  }
0x102: {  	v0 =	vld.idx.msk [tilespmem:v0+s5+$0x0], $0xffff;
	_ =	sdelay $0x4  }
0x103: {  	[tilespmem:s22+$0x20] =	vst v0  }
0x104: {  	v0 =	vld [tilespmem:s21+$0xFFFFFFC0];
	_ =	sdelay $0x7  }
0x105: {  	v0 =	vld.idx.msk [tilespmem:v0+s5+$0x0], $0xffff;
	_ =	sdelay $0x4  }
0x106: {  	[tilespmem:s22+$0x30] =	vst v0  }
0x107: {  	v0 =	vld [tilespmem:s21+$0xFFFFFFD0];
	_ =	sdelay $0x7  }
0x108: {  	v0 =	vld.idx.msk [tilespmem:v0+s5+$0x0], $0xffff;
	_ =	sdelay $0x4  }
0x109: {  	[tilespmem:s22+$0x40] =	vst v0  }
0x10a: {  	v0 =	vld [tilespmem:s21+$0xFFFFFFE0];
	_ =	sdelay $0x7  }
0x10b: {  	v0 =	vld.idx.msk [tilespmem:v0+s5+$0x0], $0xffff;
	_ =	sdelay $0x4  }
0x10c: {  	[tilespmem:s22+$0x50] =	vst v0  }
0x10d: {  	v0 =	vld [tilespmem:s21+$0xFFFFFFF0];
	_ =	sdelay $0x7  }
0x10e: {  	v0 =	vld.idx.msk [tilespmem:v0+s5+$0x0], $0xffff;
	_ =	sdelay $0x4  }
0x10f: {  	[tilespmem:s22+$0x60] =	vst v0  }
0x110: {  	v0 =	vld [tilespmem:s21+$0x0];
	_ =	sdelay $0x6  }
0x111: {  	s20 =	sadd.s32 $0x10, s20  }
0x112: {  	p0 =	slt.u32 s20, $0xF0;
	v0 =	vld.idx.msk [tilespmem:v0+s5+$0x0], $0xffff  }
.Ltmp6:
0x113: {  	_ = 	snop;
	(pc) =	sbr.rel @p0 .LBB2_15-.Ltmp6, $2  }
0x114: {  	_ =	sdelay $0x2  }
0x115: {  	s21 =	sadd.s32 $0x100, s21;
	[tilespmem:s22+$0x70] =	vst v0;
	s22 =	sadd.s32 $0x200, s22  }
0x116: {  	s19 =	sadd.s32 s19, s9;
	s20 =	simm.s32 $0x1C780  }
0x117: {  	s21 =	simm.s32 $0x80;
	s22 =	simm.s32 $0x1C880;
	s23 =	sadd.s32 $0x0, s19  }
.LBB2_17:
0x118: {  	[hbm4b:s23+s5] =	stream.linear.scatter [tilespmem:s20], [sflag:$0x3], $0x80, $0x38;
	[tilespmem:$0x1E700] =	vst v63  }
0x119: {  	s23 =	smov.u32 s21;
	s20 =	smov.u32 s22;
	p0 =	sne.s32 s21, $0xF80  }
.Ltmp7:
0x11a: {  	s21 =	sadd.s32 $0x80, s21;
	(pc) =	sbr.rel @p0 .LBB2_17-.Ltmp7, $2  }
0x11b: {  	_ =	sdelay $0x2  }
0x11c: {  	s22 =	sadd.s32 $0x100, s22;
	s23 =	sadd.s32 s23, s19  }
0x11d: {  	s17 =	sadd.s32 $0x1, s17  }
0x11e: {  	p0 =	sne.s32 s17, $0xD  }
.Ltmp8:
0x11f: {  	_ = 	snop;
	(pc) =	sbr.rel @p0 .LBB2_2-.Ltmp8, $2  }
0x120: {  	_ =	sdelay $0x2  }
0x121: {  	[hbm4b:s23+s5] =	stream.linear.scatter [tilespmem:s20], [sflag:$0x3], $0x80, $0x38;
	[tilespmem:$0x1E700] =	vst v63  }
0x122: {  	s16 =	sadd.s32 $0x1, s16  }
0x123: {  	_ =	swait.ge [sflag:s14], $0x1000;
	p0 =	sne.s32 s16, s10  }
.Ltmp9:
0x124: {  	[sflag:s14] =	ssyncset.done $0x0;
	(pc) =	sbr.rel @p0 .LBB2_1-.Ltmp9, $4  }
0x125: {  	[sflag:s14] =	ssyncadd.s32 $0xFFFFF000  }
0x126: {  	_ =	swait.ge [sflag:s15], $0x1000  }
0x127: {  	[sflag:s15] =	ssyncset.done $0x0  }
0x128: {  	[sflag:s15] =	ssyncadd.s32 $0xFFFFF000  }
0x129: {  	_ =	sfence.sel $0x180000  }
0x12a: {  	[bflag:$0x0] =	sbarrier.arrive $0xFFFF  }
0x12b: {  	p0 =	sne.s32 s3, $0x0;
	_ =	strace $0x90000047  }
0x12c: {  	s0 =	sadd.s32 @!p0 $0x100000, s0;
	[bflag:$0x2] =	sbarrier.arrive $0xFFFF  }
0x12d: {  	[sflag:s0] =	ssyncadd.tile.s32 @!p0 $0x1;
	_ =	shalt  }
.Lfunc_end2:
_tile_overlayer_lowered:
.L_overlay_start_2:
0x12e: {  	(tag) =	ssettag $0x2  }
0x12f: {  	s0 =	rddreg [dreg:$0x0];
	s2 =	stileid.u32  }
0x130: {  	s1 =	rddreg [dreg:$0x1];
	p0 =	sne.s32 s2, $0x0  }
0x131: {  	s3 =	rddreg [dreg:$0x2];
	[bflag:$0x3] =	sbarrier.arrive $0xFFFF;
	s2 =	simm.s32 @!p0 $0x1C04  }
0x132: {  	[timem:s3], [sflag:s2] =	dma.local @!p0 [hbm:s0], s1  }
0x133: {  	s0 =	simm.s32 @!p0 $0x4  }
0x134: {  	_ =	swait.ge @!p0 [sflag:s0], s1  }
0x135: {  	s1 =	ssub.s32 @!p0 $0x0, s1;
	[sflag:s0] =	ssyncset.done @!p0 $0x0  }
0x136: {  	[sflag:s0] =	ssyncadd.s32 @!p0 s1  }
0x137: {  	[bflag:$0x3] =	sbarrier.arrive $0xFFFF  }
0x138: {  	_ =	shalt  }

</sc_bundles>
